<compile_context>
chip_gen: v7x
topology: tpu7x:2x2x1
jax: 0.10.2.dev20260603
libtpu: 0.0.44.dev20260713+nightly
codegen_flags: <defaults>
</compile_context>

<pallas_src>
import functools

import jax
import jax.numpy as jnp
from jax import lax
from jax.experimental import pallas as pl
from jax.experimental.pallas import tpu as pltpu
from jax.experimental.pallas import tpu_sc as plsc

_info = plsc.get_sparse_core_info()
_NC, _NS = _info.num_cores, _info.num_subcores
_NW = _NC * _NS

_CHUNK = 128
_NR = 4
_NO = 2


def _make_gather(B: int, D: int):
    b_per_w = B // _NW
    n_chunks = b_per_w // _CHUNK
    assert n_chunks % _NR == 0

    mesh = plsc.VectorSubcoreMesh(core_axis_name="c", subcore_axis_name="s")

    @functools.partial(
        pl.kernel,
        out_type=jax.ShapeDtypeStruct((B, D), jnp.float32),
        mesh=mesh,
        scratch_types=[
            pltpu.VMEM((n_chunks, _CHUNK), jnp.int32),
            [pltpu.VMEM((_CHUNK, D), jnp.float32) for _ in range(_NR)],
            [pltpu.VMEM_SHARED((_NS * _CHUNK, D), jnp.float32) for _ in range(_NO)],
            [pltpu.SemaphoreType.DMA for _ in range(_NR)],
            [pltpu.SemaphoreType.DMA for _ in range(_NR)],
            [pltpu.SemaphoreType.DMA for _ in range(_NO)],
        ],
    )
    def gather_kernel(
        table_hbm, idx_hbm, out_hbm, idx_v, rows, shared, g_sems, x_sems, o_sems
    ):
        s = lax.axis_index("s")
        wid = s * _NC + lax.axis_index("c")
        out_base = wid * b_per_w

        pltpu.sync_copy(idx_hbm.at[pl.ds(wid * n_chunks, n_chunks)], idx_v)

        def sh(b2):
            return shared[b2].at[pl.ds(s * _CHUNK, _CHUNK)]

        def start_gather(j, b4):
            pltpu.async_copy(table_hbm.at[idx_v.at[j]], rows[b4], g_sems[b4])

        def wait_gather(j, b4):
            pltpu.make_async_copy(
                table_hbm.at[idx_v.at[j]], rows[b4], g_sems[b4]
            ).wait()

        def start_xbar(b4, b2):
            pltpu.async_copy(rows[b4], sh(b2), x_sems[b4])

        def wait_xbar(b4, b2):
            pltpu.make_async_copy(rows[b4], sh(b2), x_sems[b4]).wait()

        def start_out(j, b2):
            pltpu.async_copy(
                sh(b2), out_hbm.at[pl.ds(out_base + j * _CHUNK, _CHUNK)], o_sems[b2]
            )

        def wait_out(b2):
            pltpu.make_async_copy(
                sh(b2), out_hbm.at[pl.ds(out_base, _CHUNK)], o_sems[b2]
            ).wait()

        def step(j, b4, need_wait_out, do_prev, do_gather):
            wait_gather(j, b4)
            if need_wait_out:
                wait_out(b4 % _NO)
            start_xbar(b4, b4 % _NO)
            if do_prev:
                pb4 = (b4 - 1) % _NR
                wait_xbar(pb4, pb4 % _NO)
                start_out(j - 1, pb4 % _NO)
            if do_gather:
                start_gather(j + 2, (b4 + 2) % _NR)

        start_gather(0, 0)
        start_gather(1, 1)
        for b4 in range(_NR):
            step(b4, b4, b4 >= _NO, b4 >= 1, True)

        def body(g, carry):
            for b4 in range(_NR):
                step(g * _NR + b4, b4, True, True, True)
            return carry

        lax.fori_loop(1, n_chunks // _NR - 1, body, 0)

        for b4 in range(_NR):
            step(n_chunks - _NR + b4, b4, True, True, b4 < _NR - 2)

        lb4 = (n_chunks - 1) % _NR
        wait_xbar(lb4, lb4 % _NO)
        start_out(n_chunks - 1, lb4 % _NO)
        for b2 in range(_NO):
            wait_out(b2)

    return gather_kernel


def kernel(item_ids, table):
    ids_shape = item_ids.shape
    B = ids_shape[0] * ids_shape[1]
    D = table.shape[1]
    idx2d = item_ids.reshape(B // _CHUNK, _CHUNK).astype(jnp.int32)
    out = _make_gather(B, D)(table, idx2d)
    return out.reshape(*ids_shape, D)

# --- scband reference (transcript-rebuilt; emitter-appended) ---
"""Pipeline reference for scband-local-embedding-module-34849364639833 (READ-ONLY COPY).

The authoritative reference and input builder live on the scoring server;
editing this copy changes nothing except your own understanding.
"""

import jax, jax.numpy as jnp
import numpy as np

NUM_ITEMS = 100000
EMB_DIM = 128

def setup_inputs(seed: int = 0) -> dict:
    key = jax.random.key(seed)
    k_idx, k_tab = jax.random.split(key)
    item_ids = jax.random.randint(k_idx, (4096, 200), 0, NUM_ITEMS + 1, dtype=jnp.int64 if jax.config.jax_enable_x64 else jnp.int32)
    # truncated_normal(mean=0, std=0.02) init for the embedding table, padding_idx=0 row zeroed
    table = jax.random.truncated_normal(k_tab, -2.0, 2.0, (NUM_ITEMS + 1, EMB_DIM), dtype=jnp.float32) * 0.02
    table = table.at[0].set(0.0)
    return {"item_ids": item_ids, "table": table}

def reference(item_ids, table):
    # nn.Embedding with padding_idx=0: row 0 is zeros; lookup is a row gather
    table = table.at[0].set(0.0)
    return jnp.take(table, item_ids, axis=0)

if __name__ == "__main__":
    import jax
    _d = setup_inputs()
    print(jax.jit(kernel)(*tuple(_d.values())))

</pallas_src>

<mosaic_0001>
#map = affine_map<(d0, d1) -> (0, 0)>
module attributes {stable_mosaic.version = 14 : i64} {
  func.func @gather_kernel(%arg0: i32, %arg1: i32, %arg2: memref<100001x128xf32, #tpu.memory_space<hbm>>, %arg3: memref<6400x128xi32, #tpu.memory_space<hbm>>, %arg4: memref<819200x128xf32, #tpu.memory_space<hbm>>, %arg5: memref<200x128xi32, #tpu.memory_space<vmem>>, %arg6: memref<128x128xf32, #tpu.memory_space<vmem>>, %arg7: memref<128x128xf32, #tpu.memory_space<vmem>>, %arg8: memref<128x128xf32, #tpu.memory_space<vmem>>, %arg9: memref<128x128xf32, #tpu.memory_space<vmem>>, %arg10: memref<2048x128xf32, #tpu.memory_space<vmem_shared>>, %arg11: memref<2048x128xf32, #tpu.memory_space<vmem_shared>>, %arg12: memref<!tpu.dma_semaphore, #tpu.memory_space<semaphore_mem>>, %arg13: memref<!tpu.dma_semaphore, #tpu.memory_space<semaphore_mem>>, %arg14: memref<!tpu.dma_semaphore, #tpu.memory_space<semaphore_mem>>, %arg15: memref<!tpu.dma_semaphore, #tpu.memory_space<semaphore_mem>>, %arg16: memref<!tpu.dma_semaphore, #tpu.memory_space<semaphore_mem>>, %arg17: memref<!tpu.dma_semaphore, #tpu.memory_space<semaphore_mem>>, %arg18: memref<!tpu.dma_semaphore, #tpu.memory_space<semaphore_mem>>, %arg19: memref<!tpu.dma_semaphore, #tpu.memory_space<semaphore_mem>>, %arg20: memref<!tpu.dma_semaphore, #tpu.memory_space<semaphore_mem>>, %arg21: memref<!tpu.dma_semaphore, #tpu.memory_space<semaphore_mem>>) attributes {dimension_semantics = [#tpu.dimension_semantics<core_parallel>, #tpu.dimension_semantics<subcore_parallel>], iteration_bounds = array<i64: 2, 16>, scalar_prefetch = 0 : i64, scratch_operands = 17 : i64, tpu.core_type = #tpu.core_type<sc_vector_subcore>, window_params = [{transform_indices = #map}, {transform_indices = #map}, {transform_indices = #map}]} {
    %mul3A = arith.constant 2 : i32
    %mul3A_0 = arith.muli %arg1, %mul3A : i32
    %add3A = arith.addi %mul3A_0, %arg0 : i32
    %mul3A_1 = arith.constant 25600 : i32
    %mul3A_2 = arith.muli %add3A, %mul3A_1 : i32
    %mul3A_3 = arith.constant 200 : i32
    %mul3A_4 = arith.muli %add3A, %mul3A_3 : i32
    "tpu.region"() ({
      %run_scoped3A = tpu.sem_alloc : memref<!tpu.dma_semaphore, #tpu.memory_space<semaphore_mem>>
      %dma_start3A_328 = arith.constant 0 : i32
      %dma_start3A_329 = tpu.memref_slice %arg3[%mul3A_4, %dma_start3A_328] : memref<6400x128xi32, #tpu.memory_space<hbm>> -> memref<200x128xi32, #tpu.memory_space<hbm>>
      %dma_start3A_330 = arith.constant 0 : i32
      %dma_start3A_331 = tpu.memref_slice %arg3[%mul3A_4, %dma_start3A_330] : memref<6400x128xi32, #tpu.memory_space<hbm>> -> memref<200x128xi32, #tpu.memory_space<hbm>>
      tpu.enqueue_dma source(%dma_start3A_331 : memref<200x128xi32, #tpu.memory_space<hbm>>) target(%arg5 : memref<200x128xi32, #tpu.memory_space<vmem>>) target_semaphore(%run_scoped3A : memref<!tpu.dma_semaphore, #tpu.memory_space<semaphore_mem>>)
      %dma_wait3A_332 = arith.constant 0 : i32
      %dma_wait3A_333 = tpu.memref_slice %arg3[%mul3A_4, %dma_wait3A_332] : memref<6400x128xi32, #tpu.memory_space<hbm>> -> memref<200x128xi32, #tpu.memory_space<hbm>>
      %dma_wait3A_334 = arith.constant 0 : i32
      %dma_wait3A_335 = tpu.memref_slice %arg3[%mul3A_4, %dma_wait3A_334] : memref<6400x128xi32, #tpu.memory_space<hbm>> -> memref<200x128xi32, #tpu.memory_space<hbm>>
      tpu.wait_dma2 semaphore(%run_scoped3A : memref<!tpu.dma_semaphore, #tpu.memory_space<semaphore_mem>>) src(%dma_wait3A_335 : memref<200x128xi32, #tpu.memory_space<hbm>>) dst(%arg5 : memref<200x128xi32, #tpu.memory_space<vmem>>)
      tpu.yield
    }) : () -> ()
    %dma_start3A = arith.constant 0 : i32
    %dma_start3A_5 = arith.constant 0 : i32
    %dma_start3A_6 = tpu.memref_slice %arg5[%dma_start3A, %dma_start3A_5] : memref<200x128xi32, #tpu.memory_space<vmem>> -> memref<1x128xi32, #tpu.memory_space<vmem>>
    %dma_start3A_7 = tpu.memref_squeeze %dma_start3A_6 : memref<1x128xi32, #tpu.memory_space<vmem>> -> memref<128xi32, #tpu.memory_space<vmem>>
    %dma_start3A_8 = arith.constant 0 : i32
    %dma_start3A_9 = arith.constant 0 : i32
    %dma_start3A_10 = tpu.memref_slice %arg2[%dma_start3A_8, %dma_start3A_9] : memref<100001x128xf32, #tpu.memory_space<hbm>> -> memref<100001x128xf32, #tpu.memory_space<hbm>>
    tpu.enqueue_indirect_dma source(%dma_start3A_10 : memref<100001x128xf32, #tpu.memory_space<hbm>>) target(%arg6 : memref<128x128xf32, #tpu.memory_space<vmem>>) offsets(%dma_start3A_7 : memref<128xi32, #tpu.memory_space<vmem>>) semaphore(%arg12 : memref<!tpu.dma_semaphore, #tpu.memory_space<semaphore_mem>>)
    %dma_start3A_11 = arith.constant 1 : i32
    %dma_start3A_12 = arith.constant 0 : i32
    %dma_start3A_13 = tpu.memref_slice %arg5[%dma_start3A_11, %dma_start3A_12] : memref<200x128xi32, #tpu.memory_space<vmem>> -> memref<1x128xi32, #tpu.memory_space<vmem>>
    %dma_start3A_14 = tpu.memref_squeeze %dma_start3A_13 : memref<1x128xi32, #tpu.memory_space<vmem>> -> memref<128xi32, #tpu.memory_space<vmem>>
    %dma_start3A_15 = arith.constant 0 : i32
    %dma_start3A_16 = arith.constant 0 : i32
    %dma_start3A_17 = tpu.memref_slice %arg2[%dma_start3A_15, %dma_start3A_16] : memref<100001x128xf32, #tpu.memory_space<hbm>> -> memref<100001x128xf32, #tpu.memory_space<hbm>>
    tpu.enqueue_indirect_dma source(%dma_start3A_17 : memref<100001x128xf32, #tpu.memory_space<hbm>>) target(%arg7 : memref<128x128xf32, #tpu.memory_space<vmem>>) offsets(%dma_start3A_14 : memref<128xi32, #tpu.memory_space<vmem>>) semaphore(%arg13 : memref<!tpu.dma_semaphore, #tpu.memory_space<semaphore_mem>>)
    %dma_wait3A = arith.constant 0 : i32
    %dma_wait3A_18 = arith.constant 0 : i32
    %dma_wait3A_19 = tpu.memref_slice %arg5[%dma_wait3A, %dma_wait3A_18] : memref<200x128xi32, #tpu.memory_space<vmem>> -> memref<1x128xi32, #tpu.memory_space<vmem>>
    %dma_wait3A_20 = tpu.memref_squeeze %dma_wait3A_19 : memref<1x128xi32, #tpu.memory_space<vmem>> -> memref<128xi32, #tpu.memory_space<vmem>>
    %dma_wait3A_21 = arith.constant 0 : i32
    %dma_wait3A_22 = arith.constant 0 : i32
    %dma_wait3A_23 = tpu.memref_slice %arg2[%dma_wait3A_21, %dma_wait3A_22] : memref<100001x128xf32, #tpu.memory_space<hbm>> -> memref<100001x128xf32, #tpu.memory_space<hbm>>
    tpu.wait_indirect_dma semaphore(%arg12 : memref<!tpu.dma_semaphore, #tpu.memory_space<semaphore_mem>>) src(%dma_wait3A_23 : memref<100001x128xf32, #tpu.memory_space<hbm>>) dst(%arg6 : memref<128x128xf32, #tpu.memory_space<vmem>>)
    %mul3A_24 = arith.constant 128 : i32
    %mul3A_25 = arith.muli %arg1, %mul3A_24 : i32
    %dma_start3A_26 = arith.constant 0 : i32
    %dma_start3A_27 = tpu.memref_slice %arg10[%mul3A_25, %dma_start3A_26] : memref<2048x128xf32, #tpu.memory_space<vmem_shared>> -> memref<128x128xf32, #tpu.memory_space<vmem_shared>>
    %dma_start3A_28 = arith.constant 0 : i32
    %dma_start3A_29 = tpu.memref_slice %arg10[%mul3A_25, %dma_start3A_28] : memref<2048x128xf32, #tpu.memory_space<vmem_shared>> -> memref<128x128xf32, #tpu.memory_space<vmem_shared>>
    tpu.enqueue_dma source(%arg6 : memref<128x128xf32, #tpu.memory_space<vmem>>) target(%dma_start3A_29 : memref<128x128xf32, #tpu.memory_space<vmem_shared>>) target_semaphore(%arg16 : memref<!tpu.dma_semaphore, #tpu.memory_space<semaphore_mem>>)
    %dma_start3A_30 = arith.constant 2 : i32
    %dma_start3A_31 = arith.constant 0 : i32
    %dma_start3A_32 = tpu.memref_slice %arg5[%dma_start3A_30, %dma_start3A_31] : memref<200x128xi32, #tpu.memory_space<vmem>> -> memref<1x128xi32, #tpu.memory_space<vmem>>
    %dma_start3A_33 = tpu.memref_squeeze %dma_start3A_32 : memref<1x128xi32, #tpu.memory_space<vmem>> -> memref<128xi32, #tpu.memory_space<vmem>>
    %dma_start3A_34 = arith.constant 0 : i32
    %dma_start3A_35 = arith.constant 0 : i32
    %dma_start3A_36 = tpu.memref_slice %arg2[%dma_start3A_34, %dma_start3A_35] : memref<100001x128xf32, #tpu.memory_space<hbm>> -> memref<100001x128xf32, #tpu.memory_space<hbm>>
    tpu.enqueue_indirect_dma source(%dma_start3A_36 : memref<100001x128xf32, #tpu.memory_space<hbm>>) target(%arg8 : memref<128x128xf32, #tpu.memory_space<vmem>>) offsets(%dma_start3A_33 : memref<128xi32, #tpu.memory_space<vmem>>) semaphore(%arg14 : memref<!tpu.dma_semaphore, #tpu.memory_space<semaphore_mem>>)
    %dma_wait3A_37 = arith.constant 1 : i32
    %dma_wait3A_38 = arith.constant 0 : i32
    %dma_wait3A_39 = tpu.memref_slice %arg5[%dma_wait3A_37, %dma_wait3A_38] : memref<200x128xi32, #tpu.memory_space<vmem>> -> memref<1x128xi32, #tpu.memory_space<vmem>>
    %dma_wait3A_40 = tpu.memref_squeeze %dma_wait3A_39 : memref<1x128xi32, #tpu.memory_space<vmem>> -> memref<128xi32, #tpu.memory_space<vmem>>
    %dma_wait3A_41 = arith.constant 0 : i32
    %dma_wait3A_42 = arith.constant 0 : i32
    %dma_wait3A_43 = tpu.memref_slice %arg2[%dma_wait3A_41, %dma_wait3A_42] : memref<100001x128xf32, #tpu.memory_space<hbm>> -> memref<100001x128xf32, #tpu.memory_space<hbm>>
    tpu.wait_indirect_dma semaphore(%arg13 : memref<!tpu.dma_semaphore, #tpu.memory_space<semaphore_mem>>) src(%dma_wait3A_43 : memref<100001x128xf32, #tpu.memory_space<hbm>>) dst(%arg7 : memref<128x128xf32, #tpu.memory_space<vmem>>)
    %mul3A_44 = arith.constant 128 : i32
    %mul3A_45 = arith.muli %arg1, %mul3A_44 : i32
    %dma_start3A_46 = arith.constant 0 : i32
    %dma_start3A_47 = tpu.memref_slice %arg11[%mul3A_45, %dma_start3A_46] : memref<2048x128xf32, #tpu.memory_space<vmem_shared>> -> memref<128x128xf32, #tpu.memory_space<vmem_shared>>
    %dma_start3A_48 = arith.constant 0 : i32
    %dma_start3A_49 = tpu.memref_slice %arg11[%mul3A_45, %dma_start3A_48] : memref<2048x128xf32, #tpu.memory_space<vmem_shared>> -> memref<128x128xf32, #tpu.memory_space<vmem_shared>>
    tpu.enqueue_dma source(%arg7 : memref<128x128xf32, #tpu.memory_space<vmem>>) target(%dma_start3A_49 : memref<128x128xf32, #tpu.memory_space<vmem_shared>>) target_semaphore(%arg17 : memref<!tpu.dma_semaphore, #tpu.memory_space<semaphore_mem>>)
    %mul3A_50 = arith.constant 128 : i32
    %mul3A_51 = arith.muli %arg1, %mul3A_50 : i32
    %dma_wait3A_52 = arith.constant 0 : i32
    %dma_wait3A_53 = tpu.memref_slice %arg10[%mul3A_51, %dma_wait3A_52] : memref<2048x128xf32, #tpu.memory_space<vmem_shared>> -> memref<128x128xf32, #tpu.memory_space<vmem_shared>>
    %dma_wait3A_54 = arith.constant 0 : i32
    %dma_wait3A_55 = tpu.memref_slice %arg10[%mul3A_51, %dma_wait3A_54] : memref<2048x128xf32, #tpu.memory_space<vmem_shared>> -> memref<128x128xf32, #tpu.memory_space<vmem_shared>>
    tpu.wait_dma2 semaphore(%arg16 : memref<!tpu.dma_semaphore, #tpu.memory_space<semaphore_mem>>) src(%arg6 : memref<128x128xf32, #tpu.memory_space<vmem>>) dst(%dma_wait3A_55 : memref<128x128xf32, #tpu.memory_space<vmem_shared>>)
    %mul3A_56 = arith.constant 128 : i32
    %mul3A_57 = arith.muli %arg1, %mul3A_56 : i32
    %add3A_58 = arith.constant 0 : i32
    %add3A_59 = arith.addi %mul3A_2, %add3A_58 : i32
    %dma_start3A_60 = arith.constant 0 : i32
    %dma_start3A_61 = tpu.memref_slice %arg4[%add3A_59, %dma_start3A_60] : memref<819200x128xf32, #tpu.memory_space<hbm>> -> memref<128x128xf32, #tpu.memory_space<hbm>>
    %dma_start3A_62 = arith.constant 0 : i32
    %dma_start3A_63 = tpu.memref_slice %arg10[%mul3A_57, %dma_start3A_62] : memref<2048x128xf32, #tpu.memory_space<vmem_shared>> -> memref<128x128xf32, #tpu.memory_space<vmem_shared>>
    tpu.enqueue_dma source(%dma_start3A_63 : memref<128x128xf32, #tpu.memory_space<vmem_shared>>) target(%dma_start3A_61 : memref<128x128xf32, #tpu.memory_space<hbm>>) target_semaphore(%arg20 : memref<!tpu.dma_semaphore, #tpu.memory_space<semaphore_mem>>)
    %dma_start3A_64 = arith.constant 3 : i32
    %dma_start3A_65 = arith.constant 0 : i32
    %dma_start3A_66 = tpu.memref_slice %arg5[%dma_start3A_64, %dma_start3A_65] : memref<200x128xi32, #tpu.memory_space<vmem>> -> memref<1x128xi32, #tpu.memory_space<vmem>>
    %dma_start3A_67 = tpu.memref_squeeze %dma_start3A_66 : memref<1x128xi32, #tpu.memory_space<vmem>> -> memref<128xi32, #tpu.memory_space<vmem>>
    %dma_start3A_68 = arith.constant 0 : i32
    %dma_start3A_69 = arith.constant 0 : i32
    %dma_start3A_70 = tpu.memref_slice %arg2[%dma_start3A_68, %dma_start3A_69] : memref<100001x128xf32, #tpu.memory_space<hbm>> -> memref<100001x128xf32, #tpu.memory_space<hbm>>
    tpu.enqueue_indirect_dma source(%dma_start3A_70 : memref<100001x128xf32, #tpu.memory_space<hbm>>) target(%arg9 : memref<128x128xf32, #tpu.memory_space<vmem>>) offsets(%dma_start3A_67 : memref<128xi32, #tpu.memory_space<vmem>>) semaphore(%arg15 : memref<!tpu.dma_semaphore, #tpu.memory_space<semaphore_mem>>)
    %dma_wait3A_71 = arith.constant 2 : i32
    %dma_wait3A_72 = arith.constant 0 : i32
    %dma_wait3A_73 = tpu.memref_slice %arg5[%dma_wait3A_71, %dma_wait3A_72] : memref<200x128xi32, #tpu.memory_space<vmem>> -> memref<1x128xi32, #tpu.memory_space<vmem>>
    %dma_wait3A_74 = tpu.memref_squeeze %dma_wait3A_73 : memref<1x128xi32, #tpu.memory_space<vmem>> -> memref<128xi32, #tpu.memory_space<vmem>>
    %dma_wait3A_75 = arith.constant 0 : i32
    %dma_wait3A_76 = arith.constant 0 : i32
    %dma_wait3A_77 = tpu.memref_slice %arg2[%dma_wait3A_75, %dma_wait3A_76] : memref<100001x128xf32, #tpu.memory_space<hbm>> -> memref<100001x128xf32, #tpu.memory_space<hbm>>
    tpu.wait_indirect_dma semaphore(%arg14 : memref<!tpu.dma_semaphore, #tpu.memory_space<semaphore_mem>>) src(%dma_wait3A_77 : memref<100001x128xf32, #tpu.memory_space<hbm>>) dst(%arg8 : memref<128x128xf32, #tpu.memory_space<vmem>>)
    %mul3A_78 = arith.constant 128 : i32
    %mul3A_79 = arith.muli %arg1, %mul3A_78 : i32
    %dma_wait3A_80 = arith.constant 0 : i32
    %dma_wait3A_81 = tpu.memref_slice %arg4[%mul3A_2, %dma_wait3A_80] : memref<819200x128xf32, #tpu.memory_space<hbm>> -> memref<128x128xf32, #tpu.memory_space<hbm>>
    %dma_wait3A_82 = arith.constant 0 : i32
    %dma_wait3A_83 = tpu.memref_slice %arg10[%mul3A_79, %dma_wait3A_82] : memref<2048x128xf32, #tpu.memory_space<vmem_shared>> -> memref<128x128xf32, #tpu.memory_space<vmem_shared>>
    tpu.wait_dma2 semaphore(%arg20 : memref<!tpu.dma_semaphore, #tpu.memory_space<semaphore_mem>>) src(%dma_wait3A_83 : memref<128x128xf32, #tpu.memory_space<vmem_shared>>) dst(%dma_wait3A_81 : memref<128x128xf32, #tpu.memory_space<hbm>>)
    %mul3A_84 = arith.constant 128 : i32
    %mul3A_85 = arith.muli %arg1, %mul3A_84 : i32
    %dma_start3A_86 = arith.constant 0 : i32
    %dma_start3A_87 = tpu.memref_slice %arg10[%mul3A_85, %dma_start3A_86] : memref<2048x128xf32, #tpu.memory_space<vmem_shared>> -> memref<128x128xf32, #tpu.memory_space<vmem_shared>>
    %dma_start3A_88 = arith.constant 0 : i32
    %dma_start3A_89 = tpu.memref_slice %arg10[%mul3A_85, %dma_start3A_88] : memref<2048x128xf32, #tpu.memory_space<vmem_shared>> -> memref<128x128xf32, #tpu.memory_space<vmem_shared>>
    tpu.enqueue_dma source(%arg8 : memref<128x128xf32, #tpu.memory_space<vmem>>) target(%dma_start3A_89 : memref<128x128xf32, #tpu.memory_space<vmem_shared>>) target_semaphore(%arg18 : memref<!tpu.dma_semaphore, #tpu.memory_space<semaphore_mem>>)
    %mul3A_90 = arith.constant 128 : i32
    %mul3A_91 = arith.muli %arg1, %mul3A_90 : i32
    %dma_wait3A_92 = arith.constant 0 : i32
    %dma_wait3A_93 = tpu.memref_slice %arg11[%mul3A_91, %dma_wait3A_92] : memref<2048x128xf32, #tpu.memory_space<vmem_shared>> -> memref<128x128xf32, #tpu.memory_space<vmem_shared>>
    %dma_wait3A_94 = arith.constant 0 : i32
    %dma_wait3A_95 = tpu.memref_slice %arg11[%mul3A_91, %dma_wait3A_94] : memref<2048x128xf32, #tpu.memory_space<vmem_shared>> -> memref<128x128xf32, #tpu.memory_space<vmem_shared>>
    tpu.wait_dma2 semaphore(%arg17 : memref<!tpu.dma_semaphore, #tpu.memory_space<semaphore_mem>>) src(%arg7 : memref<128x128xf32, #tpu.memory_space<vmem>>) dst(%dma_wait3A_95 : memref<128x128xf32, #tpu.memory_space<vmem_shared>>)
    %mul3A_96 = arith.constant 128 : i32
    %mul3A_97 = arith.muli %arg1, %mul3A_96 : i32
    %add3A_98 = arith.constant 128 : i32
    %add3A_99 = arith.addi %mul3A_2, %add3A_98 : i32
    %dma_start3A_100 = arith.constant 0 : i32
    %dma_start3A_101 = tpu.memref_slice %arg4[%add3A_99, %dma_start3A_100] : memref<819200x128xf32, #tpu.memory_space<hbm>> -> memref<128x128xf32, #tpu.memory_space<hbm>>
    %dma_start3A_102 = arith.constant 0 : i32
    %dma_start3A_103 = tpu.memref_slice %arg11[%mul3A_97, %dma_start3A_102] : memref<2048x128xf32, #tpu.memory_space<vmem_shared>> -> memref<128x128xf32, #tpu.memory_space<vmem_shared>>
    tpu.enqueue_dma source(%dma_start3A_103 : memref<128x128xf32, #tpu.memory_space<vmem_shared>>) target(%dma_start3A_101 : memref<128x128xf32, #tpu.memory_space<hbm>>) target_semaphore(%arg21 : memref<!tpu.dma_semaphore, #tpu.memory_space<semaphore_mem>>)
    %dma_start3A_104 = arith.constant 4 : i32
    %dma_start3A_105 = arith.constant 0 : i32
    %dma_start3A_106 = tpu.memref_slice %arg5[%dma_start3A_104, %dma_start3A_105] : memref<200x128xi32, #tpu.memory_space<vmem>> -> memref<1x128xi32, #tpu.memory_space<vmem>>
    %dma_start3A_107 = tpu.memref_squeeze %dma_start3A_106 : memref<1x128xi32, #tpu.memory_space<vmem>> -> memref<128xi32, #tpu.memory_space<vmem>>
    %dma_start3A_108 = arith.constant 0 : i32
    %dma_start3A_109 = arith.constant 0 : i32
    %dma_start3A_110 = tpu.memref_slice %arg2[%dma_start3A_108, %dma_start3A_109] : memref<100001x128xf32, #tpu.memory_space<hbm>> -> memref<100001x128xf32, #tpu.memory_space<hbm>>
    tpu.enqueue_indirect_dma source(%dma_start3A_110 : memref<100001x128xf32, #tpu.memory_space<hbm>>) target(%arg6 : memref<128x128xf32, #tpu.memory_space<vmem>>) offsets(%dma_start3A_107 : memref<128xi32, #tpu.memory_space<vmem>>) semaphore(%arg12 : memref<!tpu.dma_semaphore, #tpu.memory_space<semaphore_mem>>)
    %dma_wait3A_111 = arith.constant 3 : i32
    %dma_wait3A_112 = arith.constant 0 : i32
    %dma_wait3A_113 = tpu.memref_slice %arg5[%dma_wait3A_111, %dma_wait3A_112] : memref<200x128xi32, #tpu.memory_space<vmem>> -> memref<1x128xi32, #tpu.memory_space<vmem>>
    %dma_wait3A_114 = tpu.memref_squeeze %dma_wait3A_113 : memref<1x128xi32, #tpu.memory_space<vmem>> -> memref<128xi32, #tpu.memory_space<vmem>>
    %dma_wait3A_115 = arith.constant 0 : i32
    %dma_wait3A_116 = arith.constant 0 : i32
    %dma_wait3A_117 = tpu.memref_slice %arg2[%dma_wait3A_115, %dma_wait3A_116] : memref<100001x128xf32, #tpu.memory_space<hbm>> -> memref<100001x128xf32, #tpu.memory_space<hbm>>
    tpu.wait_indirect_dma semaphore(%arg15 : memref<!tpu.dma_semaphore, #tpu.memory_space<semaphore_mem>>) src(%dma_wait3A_117 : memref<100001x128xf32, #tpu.memory_space<hbm>>) dst(%arg9 : memref<128x128xf32, #tpu.memory_space<vmem>>)
    %mul3A_118 = arith.constant 128 : i32
    %mul3A_119 = arith.muli %arg1, %mul3A_118 : i32
    %dma_wait3A_120 = arith.constant 0 : i32
    %dma_wait3A_121 = tpu.memref_slice %arg4[%mul3A_2, %dma_wait3A_120] : memref<819200x128xf32, #tpu.memory_space<hbm>> -> memref<128x128xf32, #tpu.memory_space<hbm>>
    %dma_wait3A_122 = arith.constant 0 : i32
    %dma_wait3A_123 = tpu.memref_slice %arg11[%mul3A_119, %dma_wait3A_122] : memref<2048x128xf32, #tpu.memory_space<vmem_shared>> -> memref<128x128xf32, #tpu.memory_space<vmem_shared>>
    tpu.wait_dma2 semaphore(%arg21 : memref<!tpu.dma_semaphore, #tpu.memory_space<semaphore_mem>>) src(%dma_wait3A_123 : memref<128x128xf32, #tpu.memory_space<vmem_shared>>) dst(%dma_wait3A_121 : memref<128x128xf32, #tpu.memory_space<hbm>>)
    %mul3A_124 = arith.constant 128 : i32
    %mul3A_125 = arith.muli %arg1, %mul3A_124 : i32
    %dma_start3A_126 = arith.constant 0 : i32
    %dma_start3A_127 = tpu.memref_slice %arg11[%mul3A_125, %dma_start3A_126] : memref<2048x128xf32, #tpu.memory_space<vmem_shared>> -> memref<128x128xf32, #tpu.memory_space<vmem_shared>>
    %dma_start3A_128 = arith.constant 0 : i32
    %dma_start3A_129 = tpu.memref_slice %arg11[%mul3A_125, %dma_start3A_128] : memref<2048x128xf32, #tpu.memory_space<vmem_shared>> -> memref<128x128xf32, #tpu.memory_space<vmem_shared>>
    tpu.enqueue_dma source(%arg9 : memref<128x128xf32, #tpu.memory_space<vmem>>) target(%dma_start3A_129 : memref<128x128xf32, #tpu.memory_space<vmem_shared>>) target_semaphore(%arg19 : memref<!tpu.dma_semaphore, #tpu.memory_space<semaphore_mem>>)
    %mul3A_130 = arith.constant 128 : i32
    %mul3A_131 = arith.muli %arg1, %mul3A_130 : i32
    %dma_wait3A_132 = arith.constant 0 : i32
    %dma_wait3A_133 = tpu.memref_slice %arg10[%mul3A_131, %dma_wait3A_132] : memref<2048x128xf32, #tpu.memory_space<vmem_shared>> -> memref<128x128xf32, #tpu.memory_space<vmem_shared>>
    %dma_wait3A_134 = arith.constant 0 : i32
    %dma_wait3A_135 = tpu.memref_slice %arg10[%mul3A_131, %dma_wait3A_134] : memref<2048x128xf32, #tpu.memory_space<vmem_shared>> -> memref<128x128xf32, #tpu.memory_space<vmem_shared>>
    tpu.wait_dma2 semaphore(%arg18 : memref<!tpu.dma_semaphore, #tpu.memory_space<semaphore_mem>>) src(%arg8 : memref<128x128xf32, #tpu.memory_space<vmem>>) dst(%dma_wait3A_135 : memref<128x128xf32, #tpu.memory_space<vmem_shared>>)
    %mul3A_136 = arith.constant 128 : i32
    %mul3A_137 = arith.muli %arg1, %mul3A_136 : i32
    %add3A_138 = arith.constant 256 : i32
    %add3A_139 = arith.addi %mul3A_2, %add3A_138 : i32
    %dma_start3A_140 = arith.constant 0 : i32
    %dma_start3A_141 = tpu.memref_slice %arg4[%add3A_139, %dma_start3A_140] : memref<819200x128xf32, #tpu.memory_space<hbm>> -> memref<128x128xf32, #tpu.memory_space<hbm>>
    %dma_start3A_142 = arith.constant 0 : i32
    %dma_start3A_143 = tpu.memref_slice %arg10[%mul3A_137, %dma_start3A_142] : memref<2048x128xf32, #tpu.memory_space<vmem_shared>> -> memref<128x128xf32, #tpu.memory_space<vmem_shared>>
    tpu.enqueue_dma source(%dma_start3A_143 : memref<128x128xf32, #tpu.memory_space<vmem_shared>>) target(%dma_start3A_141 : memref<128x128xf32, #tpu.memory_space<hbm>>) target_semaphore(%arg20 : memref<!tpu.dma_semaphore, #tpu.memory_space<semaphore_mem>>)
    %dma_start3A_144 = arith.constant 5 : i32
    %dma_start3A_145 = arith.constant 0 : i32
    %dma_start3A_146 = tpu.memref_slice %arg5[%dma_start3A_144, %dma_start3A_145] : memref<200x128xi32, #tpu.memory_space<vmem>> -> memref<1x128xi32, #tpu.memory_space<vmem>>
    %dma_start3A_147 = tpu.memref_squeeze %dma_start3A_146 : memref<1x128xi32, #tpu.memory_space<vmem>> -> memref<128xi32, #tpu.memory_space<vmem>>
    %dma_start3A_148 = arith.constant 0 : i32
    %dma_start3A_149 = arith.constant 0 : i32
    %dma_start3A_150 = tpu.memref_slice %arg2[%dma_start3A_148, %dma_start3A_149] : memref<100001x128xf32, #tpu.memory_space<hbm>> -> memref<100001x128xf32, #tpu.memory_space<hbm>>
    tpu.enqueue_indirect_dma source(%dma_start3A_150 : memref<100001x128xf32, #tpu.memory_space<hbm>>) target(%arg7 : memref<128x128xf32, #tpu.memory_space<vmem>>) offsets(%dma_start3A_147 : memref<128xi32, #tpu.memory_space<vmem>>) semaphore(%arg13 : memref<!tpu.dma_semaphore, #tpu.memory_space<semaphore_mem>>)
    %scan3A = arith.constant 0 : i32
    %scan3A_151 = arith.constant 1 : i32
    %scan3A_152 = arith.constant 48 : i32
    %scan3A_153 = arith.addi %scan3A_151, %scan3A_152 : i32
    %scan3A_154 = arith.constant 1 : i32
    scf.for %scan3A_328 = %scan3A_151 to %scan3A_153 step %scan3A_154  : i32 {
      %mul3A_329 = arith.constant 4 : i32
      %mul3A_330 = arith.muli %scan3A_328, %mul3A_329 : i32
      %add3A_331 = arith.constant 0 : i32
      %add3A_332 = arith.addi %mul3A_330, %add3A_331 : i32
      %dma_wait3A_333 = arith.constant 0 : i32
      %dma_wait3A_334 = tpu.memref_slice %arg5[%add3A_332, %dma_wait3A_333] : memref<200x128xi32, #tpu.memory_space<vmem>> -> memref<1x128xi32, #tpu.memory_space<vmem>>
      %dma_wait3A_335 = tpu.memref_squeeze %dma_wait3A_334 : memref<1x128xi32, #tpu.memory_space<vmem>> -> memref<128xi32, #tpu.memory_space<vmem>>
      %dma_wait3A_336 = arith.constant 0 : i32
      %dma_wait3A_337 = arith.constant 0 : i32
      %dma_wait3A_338 = tpu.memref_slice %arg2[%dma_wait3A_336, %dma_wait3A_337] : memref<100001x128xf32, #tpu.memory_space<hbm>> -> memref<100001x128xf32, #tpu.memory_space<hbm>>
      tpu.wait_indirect_dma semaphore(%arg12 : memref<!tpu.dma_semaphore, #tpu.memory_space<semaphore_mem>>) src(%dma_wait3A_338 : memref<100001x128xf32, #tpu.memory_space<hbm>>) dst(%arg6 : memref<128x128xf32, #tpu.memory_space<vmem>>)
      %mul3A_339 = arith.constant 128 : i32
      %mul3A_340 = arith.muli %arg1, %mul3A_339 : i32
      %dma_wait3A_341 = arith.constant 0 : i32
      %dma_wait3A_342 = tpu.memref_slice %arg4[%mul3A_2, %dma_wait3A_341] : memref<819200x128xf32, #tpu.memory_space<hbm>> -> memref<128x128xf32, #tpu.memory_space<hbm>>
      %dma_wait3A_343 = arith.constant 0 : i32
      %dma_wait3A_344 = tpu.memref_slice %arg10[%mul3A_340, %dma_wait3A_343] : memref<2048x128xf32, #tpu.memory_space<vmem_shared>> -> memref<128x128xf32, #tpu.memory_space<vmem_shared>>
      tpu.wait_dma2 semaphore(%arg20 : memref<!tpu.dma_semaphore, #tpu.memory_space<semaphore_mem>>) src(%dma_wait3A_344 : memref<128x128xf32, #tpu.memory_space<vmem_shared>>) dst(%dma_wait3A_342 : memref<128x128xf32, #tpu.memory_space<hbm>>)
      %mul3A_345 = arith.constant 128 : i32
      %mul3A_346 = arith.muli %arg1, %mul3A_345 : i32
      %dma_start3A_347 = arith.constant 0 : i32
      %dma_start3A_348 = tpu.memref_slice %arg10[%mul3A_346, %dma_start3A_347] : memref<2048x128xf32, #tpu.memory_space<vmem_shared>> -> memref<128x128xf32, #tpu.memory_space<vmem_shared>>
      %dma_start3A_349 = arith.constant 0 : i32
      %dma_start3A_350 = tpu.memref_slice %arg10[%mul3A_346, %dma_start3A_349] : memref<2048x128xf32, #tpu.memory_space<vmem_shared>> -> memref<128x128xf32, #tpu.memory_space<vmem_shared>>
      tpu.enqueue_dma source(%arg6 : memref<128x128xf32, #tpu.memory_space<vmem>>) target(%dma_start3A_350 : memref<128x128xf32, #tpu.memory_space<vmem_shared>>) target_semaphore(%arg16 : memref<!tpu.dma_semaphore, #tpu.memory_space<semaphore_mem>>)
      %mul3A_351 = arith.constant 128 : i32
      %mul3A_352 = arith.muli %arg1, %mul3A_351 : i32
      %dma_wait3A_353 = arith.constant 0 : i32
      %dma_wait3A_354 = tpu.memref_slice %arg11[%mul3A_352, %dma_wait3A_353] : memref<2048x128xf32, #tpu.memory_space<vmem_shared>> -> memref<128x128xf32, #tpu.memory_space<vmem_shared>>
      %dma_wait3A_355 = arith.constant 0 : i32
      %dma_wait3A_356 = tpu.memref_slice %arg11[%mul3A_352, %dma_wait3A_355] : memref<2048x128xf32, #tpu.memory_space<vmem_shared>> -> memref<128x128xf32, #tpu.memory_space<vmem_shared>>
      tpu.wait_dma2 semaphore(%arg19 : memref<!tpu.dma_semaphore, #tpu.memory_space<semaphore_mem>>) src(%arg9 : memref<128x128xf32, #tpu.memory_space<vmem>>) dst(%dma_wait3A_356 : memref<128x128xf32, #tpu.memory_space<vmem_shared>>)
      %sub3A = arith.constant 1 : i32
      %sub3A_357 = arith.subi %add3A_332, %sub3A : i32
      %mul3A_358 = arith.constant 128 : i32
      %mul3A_359 = arith.muli %arg1, %mul3A_358 : i32
      %mul3A_360 = arith.constant 128 : i32
      %mul3A_361 = arith.muli %sub3A_357, %mul3A_360 : i32
      %add3A_362 = arith.addi %mul3A_2, %mul3A_361 : i32
      %dma_start3A_363 = arith.constant 0 : i32
      %dma_start3A_364 = tpu.memref_slice %arg4[%add3A_362, %dma_start3A_363] : memref<819200x128xf32, #tpu.memory_space<hbm>> -> memref<128x128xf32, #tpu.memory_space<hbm>>
      %dma_start3A_365 = arith.constant 0 : i32
      %dma_start3A_366 = tpu.memref_slice %arg11[%mul3A_359, %dma_start3A_365] : memref<2048x128xf32, #tpu.memory_space<vmem_shared>> -> memref<128x128xf32, #tpu.memory_space<vmem_shared>>
      tpu.enqueue_dma source(%dma_start3A_366 : memref<128x128xf32, #tpu.memory_space<vmem_shared>>) target(%dma_start3A_364 : memref<128x128xf32, #tpu.memory_space<hbm>>) target_semaphore(%arg21 : memref<!tpu.dma_semaphore, #tpu.memory_space<semaphore_mem>>)
      %add3A_367 = arith.constant 2 : i32
      %add3A_368 = arith.addi %add3A_332, %add3A_367 : i32
      %dma_start3A_369 = arith.constant 0 : i32
      %dma_start3A_370 = tpu.memref_slice %arg5[%add3A_368, %dma_start3A_369] : memref<200x128xi32, #tpu.memory_space<vmem>> -> memref<1x128xi32, #tpu.memory_space<vmem>>
      %dma_start3A_371 = tpu.memref_squeeze %dma_start3A_370 : memref<1x128xi32, #tpu.memory_space<vmem>> -> memref<128xi32, #tpu.memory_space<vmem>>
      %dma_start3A_372 = arith.constant 0 : i32
      %dma_start3A_373 = arith.constant 0 : i32
      %dma_start3A_374 = tpu.memref_slice %arg2[%dma_start3A_372, %dma_start3A_373] : memref<100001x128xf32, #tpu.memory_space<hbm>> -> memref<100001x128xf32, #tpu.memory_space<hbm>>
      tpu.enqueue_indirect_dma source(%dma_start3A_374 : memref<100001x128xf32, #tpu.memory_space<hbm>>) target(%arg8 : memref<128x128xf32, #tpu.memory_space<vmem>>) offsets(%dma_start3A_371 : memref<128xi32, #tpu.memory_space<vmem>>) semaphore(%arg14 : memref<!tpu.dma_semaphore, #tpu.memory_space<semaphore_mem>>)
      %mul3A_375 = arith.constant 4 : i32
      %mul3A_376 = arith.muli %scan3A_328, %mul3A_375 : i32
      %add3A_377 = arith.constant 1 : i32
      %add3A_378 = arith.addi %mul3A_376, %add3A_377 : i32
      %dma_wait3A_379 = arith.constant 0 : i32
      %dma_wait3A_380 = tpu.memref_slice %arg5[%add3A_378, %dma_wait3A_379] : memref<200x128xi32, #tpu.memory_space<vmem>> -> memref<1x128xi32, #tpu.memory_space<vmem>>
      %dma_wait3A_381 = tpu.memref_squeeze %dma_wait3A_380 : memref<1x128xi32, #tpu.memory_space<vmem>> -> memref<128xi32, #tpu.memory_space<vmem>>
      %dma_wait3A_382 = arith.constant 0 : i32
      %dma_wait3A_383 = arith.constant 0 : i32
      %dma_wait3A_384 = tpu.memref_slice %arg2[%dma_wait3A_382, %dma_wait3A_383] : memref<100001x128xf32, #tpu.memory_space<hbm>> -> memref<100001x128xf32, #tpu.memory_space<hbm>>
      tpu.wait_indirect_dma semaphore(%arg13 : memref<!tpu.dma_semaphore, #tpu.memory_space<semaphore_mem>>) src(%dma_wait3A_384 : memref<100001x128xf32, #tpu.memory_space<hbm>>) dst(%arg7 : memref<128x128xf32, #tpu.memory_space<vmem>>)
      %mul3A_385 = arith.constant 128 : i32
      %mul3A_386 = arith.muli %arg1, %mul3A_385 : i32
      %dma_wait3A_387 = arith.constant 0 : i32
      %dma_wait3A_388 = tpu.memref_slice %arg4[%mul3A_2, %dma_wait3A_387] : memref<819200x128xf32, #tpu.memory_space<hbm>> -> memref<128x128xf32, #tpu.memory_space<hbm>>
      %dma_wait3A_389 = arith.constant 0 : i32
      %dma_wait3A_390 = tpu.memref_slice %arg11[%mul3A_386, %dma_wait3A_389] : memref<2048x128xf32, #tpu.memory_space<vmem_shared>> -> memref<128x128xf32, #tpu.memory_space<vmem_shared>>
      tpu.wait_dma2 semaphore(%arg21 : memref<!tpu.dma_semaphore, #tpu.memory_space<semaphore_mem>>) src(%dma_wait3A_390 : memref<128x128xf32, #tpu.memory_space<vmem_shared>>) dst(%dma_wait3A_388 : memref<128x128xf32, #tpu.memory_space<hbm>>)
      %mul3A_391 = arith.constant 128 : i32
      %mul3A_392 = arith.muli %arg1, %mul3A_391 : i32
      %dma_start3A_393 = arith.constant 0 : i32
      %dma_start3A_394 = tpu.memref_slice %arg11[%mul3A_392, %dma_start3A_393] : memref<2048x128xf32, #tpu.memory_space<vmem_shared>> -> memref<128x128xf32, #tpu.memory_space<vmem_shared>>
      %dma_start3A_395 = arith.constant 0 : i32
      %dma_start3A_396 = tpu.memref_slice %arg11[%mul3A_392, %dma_start3A_395] : memref<2048x128xf32, #tpu.memory_space<vmem_shared>> -> memref<128x128xf32, #tpu.memory_space<vmem_shared>>
      tpu.enqueue_dma source(%arg7 : memref<128x128xf32, #tpu.memory_space<vmem>>) target(%dma_start3A_396 : memref<128x128xf32, #tpu.memory_space<vmem_shared>>) target_semaphore(%arg17 : memref<!tpu.dma_semaphore, #tpu.memory_space<semaphore_mem>>)
      %mul3A_397 = arith.constant 128 : i32
      %mul3A_398 = arith.muli %arg1, %mul3A_397 : i32
      %dma_wait3A_399 = arith.constant 0 : i32
      %dma_wait3A_400 = tpu.memref_slice %arg10[%mul3A_398, %dma_wait3A_399] : memref<2048x128xf32, #tpu.memory_space<vmem_shared>> -> memref<128x128xf32, #tpu.memory_space<vmem_shared>>
      %dma_wait3A_401 = arith.constant 0 : i32
      %dma_wait3A_402 = tpu.memref_slice %arg10[%mul3A_398, %dma_wait3A_401] : memref<2048x128xf32, #tpu.memory_space<vmem_shared>> -> memref<128x128xf32, #tpu.memory_space<vmem_shared>>
      tpu.wait_dma2 semaphore(%arg16 : memref<!tpu.dma_semaphore, #tpu.memory_space<semaphore_mem>>) src(%arg6 : memref<128x128xf32, #tpu.memory_space<vmem>>) dst(%dma_wait3A_402 : memref<128x128xf32, #tpu.memory_space<vmem_shared>>)
      %sub3A_403 = arith.constant 1 : i32
      %sub3A_404 = arith.subi %add3A_378, %sub3A_403 : i32
      %mul3A_405 = arith.constant 128 : i32
      %mul3A_406 = arith.muli %arg1, %mul3A_405 : i32
      %mul3A_407 = arith.constant 128 : i32
      %mul3A_408 = arith.muli %sub3A_404, %mul3A_407 : i32
      %add3A_409 = arith.addi %mul3A_2, %mul3A_408 : i32
      %dma_start3A_410 = arith.constant 0 : i32
      %dma_start3A_411 = tpu.memref_slice %arg4[%add3A_409, %dma_start3A_410] : memref<819200x128xf32, #tpu.memory_space<hbm>> -> memref<128x128xf32, #tpu.memory_space<hbm>>
      %dma_start3A_412 = arith.constant 0 : i32
      %dma_start3A_413 = tpu.memref_slice %arg10[%mul3A_406, %dma_start3A_412] : memref<2048x128xf32, #tpu.memory_space<vmem_shared>> -> memref<128x128xf32, #tpu.memory_space<vmem_shared>>
      tpu.enqueue_dma source(%dma_start3A_413 : memref<128x128xf32, #tpu.memory_space<vmem_shared>>) target(%dma_start3A_411 : memref<128x128xf32, #tpu.memory_space<hbm>>) target_semaphore(%arg20 : memref<!tpu.dma_semaphore, #tpu.memory_space<semaphore_mem>>)
      %add3A_414 = arith.constant 2 : i32
      %add3A_415 = arith.addi %add3A_378, %add3A_414 : i32
      %dma_start3A_416 = arith.constant 0 : i32
      %dma_start3A_417 = tpu.memref_slice %arg5[%add3A_415, %dma_start3A_416] : memref<200x128xi32, #tpu.memory_space<vmem>> -> memref<1x128xi32, #tpu.memory_space<vmem>>
      %dma_start3A_418 = tpu.memref_squeeze %dma_start3A_417 : memref<1x128xi32, #tpu.memory_space<vmem>> -> memref<128xi32, #tpu.memory_space<vmem>>
      %dma_start3A_419 = arith.constant 0 : i32
      %dma_start3A_420 = arith.constant 0 : i32
      %dma_start3A_421 = tpu.memref_slice %arg2[%dma_start3A_419, %dma_start3A_420] : memref<100001x128xf32, #tpu.memory_space<hbm>> -> memref<100001x128xf32, #tpu.memory_space<hbm>>
      tpu.enqueue_indirect_dma source(%dma_start3A_421 : memref<100001x128xf32, #tpu.memory_space<hbm>>) target(%arg9 : memref<128x128xf32, #tpu.memory_space<vmem>>) offsets(%dma_start3A_418 : memref<128xi32, #tpu.memory_space<vmem>>) semaphore(%arg15 : memref<!tpu.dma_semaphore, #tpu.memory_space<semaphore_mem>>)
      %mul3A_422 = arith.constant 4 : i32
      %mul3A_423 = arith.muli %scan3A_328, %mul3A_422 : i32
      %add3A_424 = arith.constant 2 : i32
      %add3A_425 = arith.addi %mul3A_423, %add3A_424 : i32
      %dma_wait3A_426 = arith.constant 0 : i32
      %dma_wait3A_427 = tpu.memref_slice %arg5[%add3A_425, %dma_wait3A_426] : memref<200x128xi32, #tpu.memory_space<vmem>> -> memref<1x128xi32, #tpu.memory_space<vmem>>
      %dma_wait3A_428 = tpu.memref_squeeze %dma_wait3A_427 : memref<1x128xi32, #tpu.memory_space<vmem>> -> memref<128xi32, #tpu.memory_space<vmem>>
      %dma_wait3A_429 = arith.constant 0 : i32
      %dma_wait3A_430 = arith.constant 0 : i32
      %dma_wait3A_431 = tpu.memref_slice %arg2[%dma_wait3A_429, %dma_wait3A_430] : memref<100001x128xf32, #tpu.memory_space<hbm>> -> memref<100001x128xf32, #tpu.memory_space<hbm>>
      tpu.wait_indirect_dma semaphore(%arg14 : memref<!tpu.dma_semaphore, #tpu.memory_space<semaphore_mem>>) src(%dma_wait3A_431 : memref<100001x128xf32, #tpu.memory_space<hbm>>) dst(%arg8 : memref<128x128xf32, #tpu.memory_space<vmem>>)
      %mul3A_432 = arith.constant 128 : i32
      %mul3A_433 = arith.muli %arg1, %mul3A_432 : i32
      %dma_wait3A_434 = arith.constant 0 : i32
      %dma_wait3A_435 = tpu.memref_slice %arg4[%mul3A_2, %dma_wait3A_434] : memref<819200x128xf32, #tpu.memory_space<hbm>> -> memref<128x128xf32, #tpu.memory_space<hbm>>
      %dma_wait3A_436 = arith.constant 0 : i32
      %dma_wait3A_437 = tpu.memref_slice %arg10[%mul3A_433, %dma_wait3A_436] : memref<2048x128xf32, #tpu.memory_space<vmem_shared>> -> memref<128x128xf32, #tpu.memory_space<vmem_shared>>
      tpu.wait_dma2 semaphore(%arg20 : memref<!tpu.dma_semaphore, #tpu.memory_space<semaphore_mem>>) src(%dma_wait3A_437 : memref<128x128xf32, #tpu.memory_space<vmem_shared>>) dst(%dma_wait3A_435 : memref<128x128xf32, #tpu.memory_space<hbm>>)
      %mul3A_438 = arith.constant 128 : i32
      %mul3A_439 = arith.muli %arg1, %mul3A_438 : i32
      %dma_start3A_440 = arith.constant 0 : i32
      %dma_start3A_441 = tpu.memref_slice %arg10[%mul3A_439, %dma_start3A_440] : memref<2048x128xf32, #tpu.memory_space<vmem_shared>> -> memref<128x128xf32, #tpu.memory_space<vmem_shared>>
      %dma_start3A_442 = arith.constant 0 : i32
      %dma_start3A_443 = tpu.memref_slice %arg10[%mul3A_439, %dma_start3A_442] : memref<2048x128xf32, #tpu.memory_space<vmem_shared>> -> memref<128x128xf32, #tpu.memory_space<vmem_shared>>
      tpu.enqueue_dma source(%arg8 : memref<128x128xf32, #tpu.memory_space<vmem>>) target(%dma_start3A_443 : memref<128x128xf32, #tpu.memory_space<vmem_shared>>) target_semaphore(%arg18 : memref<!tpu.dma_semaphore, #tpu.memory_space<semaphore_mem>>)
      %mul3A_444 = arith.constant 128 : i32
      %mul3A_445 = arith.muli %arg1, %mul3A_444 : i32
      %dma_wait3A_446 = arith.constant 0 : i32
      %dma_wait3A_447 = tpu.memref_slice %arg11[%mul3A_445, %dma_wait3A_446] : memref<2048x128xf32, #tpu.memory_space<vmem_shared>> -> memref<128x128xf32, #tpu.memory_space<vmem_shared>>
      %dma_wait3A_448 = arith.constant 0 : i32
      %dma_wait3A_449 = tpu.memref_slice %arg11[%mul3A_445, %dma_wait3A_448] : memref<2048x128xf32, #tpu.memory_space<vmem_shared>> -> memref<128x128xf32, #tpu.memory_space<vmem_shared>>
      tpu.wait_dma2 semaphore(%arg17 : memref<!tpu.dma_semaphore, #tpu.memory_space<semaphore_mem>>) src(%arg7 : memref<128x128xf32, #tpu.memory_space<vmem>>) dst(%dma_wait3A_449 : memref<128x128xf32, #tpu.memory_space<vmem_shared>>)
      %sub3A_450 = arith.constant 1 : i32
      %sub3A_451 = arith.subi %add3A_425, %sub3A_450 : i32
      %mul3A_452 = arith.constant 128 : i32
      %mul3A_453 = arith.muli %arg1, %mul3A_452 : i32
      %mul3A_454 = arith.constant 128 : i32
      %mul3A_455 = arith.muli %sub3A_451, %mul3A_454 : i32
      %add3A_456 = arith.addi %mul3A_2, %mul3A_455 : i32
      %dma_start3A_457 = arith.constant 0 : i32
      %dma_start3A_458 = tpu.memref_slice %arg4[%add3A_456, %dma_start3A_457] : memref<819200x128xf32, #tpu.memory_space<hbm>> -> memref<128x128xf32, #tpu.memory_space<hbm>>
      %dma_start3A_459 = arith.constant 0 : i32
      %dma_start3A_460 = tpu.memref_slice %arg11[%mul3A_453, %dma_start3A_459] : memref<2048x128xf32, #tpu.memory_space<vmem_shared>> -> memref<128x128xf32, #tpu.memory_space<vmem_shared>>
      tpu.enqueue_dma source(%dma_start3A_460 : memref<128x128xf32, #tpu.memory_space<vmem_shared>>) target(%dma_start3A_458 : memref<128x128xf32, #tpu.memory_space<hbm>>) target_semaphore(%arg21 : memref<!tpu.dma_semaphore, #tpu.memory_space<semaphore_mem>>)
      %add3A_461 = arith.constant 2 : i32
      %add3A_462 = arith.addi %add3A_425, %add3A_461 : i32
      %dma_start3A_463 = arith.constant 0 : i32
      %dma_start3A_464 = tpu.memref_slice %arg5[%add3A_462, %dma_start3A_463] : memref<200x128xi32, #tpu.memory_space<vmem>> -> memref<1x128xi32, #tpu.memory_space<vmem>>
      %dma_start3A_465 = tpu.memref_squeeze %dma_start3A_464 : memref<1x128xi32, #tpu.memory_space<vmem>> -> memref<128xi32, #tpu.memory_space<vmem>>
      %dma_start3A_466 = arith.constant 0 : i32
      %dma_start3A_467 = arith.constant 0 : i32
      %dma_start3A_468 = tpu.memref_slice %arg2[%dma_start3A_466, %dma_start3A_467] : memref<100001x128xf32, #tpu.memory_space<hbm>> -> memref<100001x128xf32, #tpu.memory_space<hbm>>
      tpu.enqueue_indirect_dma source(%dma_start3A_468 : memref<100001x128xf32, #tpu.memory_space<hbm>>) target(%arg6 : memref<128x128xf32, #tpu.memory_space<vmem>>) offsets(%dma_start3A_465 : memref<128xi32, #tpu.memory_space<vmem>>) semaphore(%arg12 : memref<!tpu.dma_semaphore, #tpu.memory_space<semaphore_mem>>)
      %mul3A_469 = arith.constant 4 : i32
      %mul3A_470 = arith.muli %scan3A_328, %mul3A_469 : i32
      %add3A_471 = arith.constant 3 : i32
      %add3A_472 = arith.addi %mul3A_470, %add3A_471 : i32
      %dma_wait3A_473 = arith.constant 0 : i32
      %dma_wait3A_474 = tpu.memref_slice %arg5[%add3A_472, %dma_wait3A_473] : memref<200x128xi32, #tpu.memory_space<vmem>> -> memref<1x128xi32, #tpu.memory_space<vmem>>
      %dma_wait3A_475 = tpu.memref_squeeze %dma_wait3A_474 : memref<1x128xi32, #tpu.memory_space<vmem>> -> memref<128xi32, #tpu.memory_space<vmem>>
      %dma_wait3A_476 = arith.constant 0 : i32
      %dma_wait3A_477 = arith.constant 0 : i32
      %dma_wait3A_478 = tpu.memref_slice %arg2[%dma_wait3A_476, %dma_wait3A_477] : memref<100001x128xf32, #tpu.memory_space<hbm>> -> memref<100001x128xf32, #tpu.memory_space<hbm>>
      tpu.wait_indirect_dma semaphore(%arg15 : memref<!tpu.dma_semaphore, #tpu.memory_space<semaphore_mem>>) src(%dma_wait3A_478 : memref<100001x128xf32, #tpu.memory_space<hbm>>) dst(%arg9 : memref<128x128xf32, #tpu.memory_space<vmem>>)
      %mul3A_479 = arith.constant 128 : i32
      %mul3A_480 = arith.muli %arg1, %mul3A_479 : i32
      %dma_wait3A_481 = arith.constant 0 : i32
      %dma_wait3A_482 = tpu.memref_slice %arg4[%mul3A_2, %dma_wait3A_481] : memref<819200x128xf32, #tpu.memory_space<hbm>> -> memref<128x128xf32, #tpu.memory_space<hbm>>
      %dma_wait3A_483 = arith.constant 0 : i32
      %dma_wait3A_484 = tpu.memref_slice %arg11[%mul3A_480, %dma_wait3A_483] : memref<2048x128xf32, #tpu.memory_space<vmem_shared>> -> memref<128x128xf32, #tpu.memory_space<vmem_shared>>
      tpu.wait_dma2 semaphore(%arg21 : memref<!tpu.dma_semaphore, #tpu.memory_space<semaphore_mem>>) src(%dma_wait3A_484 : memref<128x128xf32, #tpu.memory_space<vmem_shared>>) dst(%dma_wait3A_482 : memref<128x128xf32, #tpu.memory_space<hbm>>)
      %mul3A_485 = arith.constant 128 : i32
      %mul3A_486 = arith.muli %arg1, %mul3A_485 : i32
      %dma_start3A_487 = arith.constant 0 : i32
      %dma_start3A_488 = tpu.memref_slice %arg11[%mul3A_486, %dma_start3A_487] : memref<2048x128xf32, #tpu.memory_space<vmem_shared>> -> memref<128x128xf32, #tpu.memory_space<vmem_shared>>
      %dma_start3A_489 = arith.constant 0 : i32
      %dma_start3A_490 = tpu.memref_slice %arg11[%mul3A_486, %dma_start3A_489] : memref<2048x128xf32, #tpu.memory_space<vmem_shared>> -> memref<128x128xf32, #tpu.memory_space<vmem_shared>>
      tpu.enqueue_dma source(%arg9 : memref<128x128xf32, #tpu.memory_space<vmem>>) target(%dma_start3A_490 : memref<128x128xf32, #tpu.memory_space<vmem_shared>>) target_semaphore(%arg19 : memref<!tpu.dma_semaphore, #tpu.memory_space<semaphore_mem>>)
      %mul3A_491 = arith.constant 128 : i32
      %mul3A_492 = arith.muli %arg1, %mul3A_491 : i32
      %dma_wait3A_493 = arith.constant 0 : i32
      %dma_wait3A_494 = tpu.memref_slice %arg10[%mul3A_492, %dma_wait3A_493] : memref<2048x128xf32, #tpu.memory_space<vmem_shared>> -> memref<128x128xf32, #tpu.memory_space<vmem_shared>>
      %dma_wait3A_495 = arith.constant 0 : i32
      %dma_wait3A_496 = tpu.memref_slice %arg10[%mul3A_492, %dma_wait3A_495] : memref<2048x128xf32, #tpu.memory_space<vmem_shared>> -> memref<128x128xf32, #tpu.memory_space<vmem_shared>>
      tpu.wait_dma2 semaphore(%arg18 : memref<!tpu.dma_semaphore, #tpu.memory_space<semaphore_mem>>) src(%arg8 : memref<128x128xf32, #tpu.memory_space<vmem>>) dst(%dma_wait3A_496 : memref<128x128xf32, #tpu.memory_space<vmem_shared>>)
      %sub3A_497 = arith.constant 1 : i32
      %sub3A_498 = arith.subi %add3A_472, %sub3A_497 : i32
      %mul3A_499 = arith.constant 128 : i32
      %mul3A_500 = arith.muli %arg1, %mul3A_499 : i32
      %mul3A_501 = arith.constant 128 : i32
      %mul3A_502 = arith.muli %sub3A_498, %mul3A_501 : i32
      %add3A_503 = arith.addi %mul3A_2, %mul3A_502 : i32
      %dma_start3A_504 = arith.constant 0 : i32
      %dma_start3A_505 = tpu.memref_slice %arg4[%add3A_503, %dma_start3A_504] : memref<819200x128xf32, #tpu.memory_space<hbm>> -> memref<128x128xf32, #tpu.memory_space<hbm>>
      %dma_start3A_506 = arith.constant 0 : i32
      %dma_start3A_507 = tpu.memref_slice %arg10[%mul3A_500, %dma_start3A_506] : memref<2048x128xf32, #tpu.memory_space<vmem_shared>> -> memref<128x128xf32, #tpu.memory_space<vmem_shared>>
      tpu.enqueue_dma source(%dma_start3A_507 : memref<128x128xf32, #tpu.memory_space<vmem_shared>>) target(%dma_start3A_505 : memref<128x128xf32, #tpu.memory_space<hbm>>) target_semaphore(%arg20 : memref<!tpu.dma_semaphore, #tpu.memory_space<semaphore_mem>>)
      %add3A_508 = arith.constant 2 : i32
      %add3A_509 = arith.addi %add3A_472, %add3A_508 : i32
      %dma_start3A_510 = arith.constant 0 : i32
      %dma_start3A_511 = tpu.memref_slice %arg5[%add3A_509, %dma_start3A_510] : memref<200x128xi32, #tpu.memory_space<vmem>> -> memref<1x128xi32, #tpu.memory_space<vmem>>
      %dma_start3A_512 = tpu.memref_squeeze %dma_start3A_511 : memref<1x128xi32, #tpu.memory_space<vmem>> -> memref<128xi32, #tpu.memory_space<vmem>>
      %dma_start3A_513 = arith.constant 0 : i32
      %dma_start3A_514 = arith.constant 0 : i32
      %dma_start3A_515 = tpu.memref_slice %arg2[%dma_start3A_513, %dma_start3A_514] : memref<100001x128xf32, #tpu.memory_space<hbm>> -> memref<100001x128xf32, #tpu.memory_space<hbm>>
      tpu.enqueue_indirect_dma source(%dma_start3A_515 : memref<100001x128xf32, #tpu.memory_space<hbm>>) target(%arg7 : memref<128x128xf32, #tpu.memory_space<vmem>>) offsets(%dma_start3A_512 : memref<128xi32, #tpu.memory_space<vmem>>) semaphore(%arg13 : memref<!tpu.dma_semaphore, #tpu.memory_space<semaphore_mem>>)
    }
    %scan3A_155 = arith.constant 48 : i32
    %dma_wait3A_156 = arith.constant 196 : i32
    %dma_wait3A_157 = arith.constant 0 : i32
    %dma_wait3A_158 = tpu.memref_slice %arg5[%dma_wait3A_156, %dma_wait3A_157] : memref<200x128xi32, #tpu.memory_space<vmem>> -> memref<1x128xi32, #tpu.memory_space<vmem>>
    %dma_wait3A_159 = tpu.memref_squeeze %dma_wait3A_158 : memref<1x128xi32, #tpu.memory_space<vmem>> -> memref<128xi32, #tpu.memory_space<vmem>>
    %dma_wait3A_160 = arith.constant 0 : i32
    %dma_wait3A_161 = arith.constant 0 : i32
    %dma_wait3A_162 = tpu.memref_slice %arg2[%dma_wait3A_160, %dma_wait3A_161] : memref<100001x128xf32, #tpu.memory_space<hbm>> -> memref<100001x128xf32, #tpu.memory_space<hbm>>
    tpu.wait_indirect_dma semaphore(%arg12 : memref<!tpu.dma_semaphore, #tpu.memory_space<semaphore_mem>>) src(%dma_wait3A_162 : memref<100001x128xf32, #tpu.memory_space<hbm>>) dst(%arg6 : memref<128x128xf32, #tpu.memory_space<vmem>>)
    %mul3A_163 = arith.constant 128 : i32
    %mul3A_164 = arith.muli %arg1, %mul3A_163 : i32
    %dma_wait3A_165 = arith.constant 0 : i32
    %dma_wait3A_166 = tpu.memref_slice %arg4[%mul3A_2, %dma_wait3A_165] : memref<819200x128xf32, #tpu.memory_space<hbm>> -> memref<128x128xf32, #tpu.memory_space<hbm>>
    %dma_wait3A_167 = arith.constant 0 : i32
    %dma_wait3A_168 = tpu.memref_slice %arg10[%mul3A_164, %dma_wait3A_167] : memref<2048x128xf32, #tpu.memory_space<vmem_shared>> -> memref<128x128xf32, #tpu.memory_space<vmem_shared>>
    tpu.wait_dma2 semaphore(%arg20 : memref<!tpu.dma_semaphore, #tpu.memory_space<semaphore_mem>>) src(%dma_wait3A_168 : memref<128x128xf32, #tpu.memory_space<vmem_shared>>) dst(%dma_wait3A_166 : memref<128x128xf32, #tpu.memory_space<hbm>>)
    %mul3A_169 = arith.constant 128 : i32
    %mul3A_170 = arith.muli %arg1, %mul3A_169 : i32
    %dma_start3A_171 = arith.constant 0 : i32
    %dma_start3A_172 = tpu.memref_slice %arg10[%mul3A_170, %dma_start3A_171] : memref<2048x128xf32, #tpu.memory_space<vmem_shared>> -> memref<128x128xf32, #tpu.memory_space<vmem_shared>>
    %dma_start3A_173 = arith.constant 0 : i32
    %dma_start3A_174 = tpu.memref_slice %arg10[%mul3A_170, %dma_start3A_173] : memref<2048x128xf32, #tpu.memory_space<vmem_shared>> -> memref<128x128xf32, #tpu.memory_space<vmem_shared>>
    tpu.enqueue_dma source(%arg6 : memref<128x128xf32, #tpu.memory_space<vmem>>) target(%dma_start3A_174 : memref<128x128xf32, #tpu.memory_space<vmem_shared>>) target_semaphore(%arg16 : memref<!tpu.dma_semaphore, #tpu.memory_space<semaphore_mem>>)
    %mul3A_175 = arith.constant 128 : i32
    %mul3A_176 = arith.muli %arg1, %mul3A_175 : i32
    %dma_wait3A_177 = arith.constant 0 : i32
    %dma_wait3A_178 = tpu.memref_slice %arg11[%mul3A_176, %dma_wait3A_177] : memref<2048x128xf32, #tpu.memory_space<vmem_shared>> -> memref<128x128xf32, #tpu.memory_space<vmem_shared>>
    %dma_wait3A_179 = arith.constant 0 : i32
    %dma_wait3A_180 = tpu.memref_slice %arg11[%mul3A_176, %dma_wait3A_179] : memref<2048x128xf32, #tpu.memory_space<vmem_shared>> -> memref<128x128xf32, #tpu.memory_space<vmem_shared>>
    tpu.wait_dma2 semaphore(%arg19 : memref<!tpu.dma_semaphore, #tpu.memory_space<semaphore_mem>>) src(%arg9 : memref<128x128xf32, #tpu.memory_space<vmem>>) dst(%dma_wait3A_180 : memref<128x128xf32, #tpu.memory_space<vmem_shared>>)
    %mul3A_181 = arith.constant 128 : i32
    %mul3A_182 = arith.muli %arg1, %mul3A_181 : i32
    %add3A_183 = arith.constant 24960 : i32
    %add3A_184 = arith.addi %mul3A_2, %add3A_183 : i32
    %dma_start3A_185 = arith.constant 0 : i32
    %dma_start3A_186 = tpu.memref_slice %arg4[%add3A_184, %dma_start3A_185] : memref<819200x128xf32, #tpu.memory_space<hbm>> -> memref<128x128xf32, #tpu.memory_space<hbm>>
    %dma_start3A_187 = arith.constant 0 : i32
    %dma_start3A_188 = tpu.memref_slice %arg11[%mul3A_182, %dma_start3A_187] : memref<2048x128xf32, #tpu.memory_space<vmem_shared>> -> memref<128x128xf32, #tpu.memory_space<vmem_shared>>
    tpu.enqueue_dma source(%dma_start3A_188 : memref<128x128xf32, #tpu.memory_space<vmem_shared>>) target(%dma_start3A_186 : memref<128x128xf32, #tpu.memory_space<hbm>>) target_semaphore(%arg21 : memref<!tpu.dma_semaphore, #tpu.memory_space<semaphore_mem>>)
    %dma_start3A_189 = arith.constant 198 : i32
    %dma_start3A_190 = arith.constant 0 : i32
    %dma_start3A_191 = tpu.memref_slice %arg5[%dma_start3A_189, %dma_start3A_190] : memref<200x128xi32, #tpu.memory_space<vmem>> -> memref<1x128xi32, #tpu.memory_space<vmem>>
    %dma_start3A_192 = tpu.memref_squeeze %dma_start3A_191 : memref<1x128xi32, #tpu.memory_space<vmem>> -> memref<128xi32, #tpu.memory_space<vmem>>
    %dma_start3A_193 = arith.constant 0 : i32
    %dma_start3A_194 = arith.constant 0 : i32
    %dma_start3A_195 = tpu.memref_slice %arg2[%dma_start3A_193, %dma_start3A_194] : memref<100001x128xf32, #tpu.memory_space<hbm>> -> memref<100001x128xf32, #tpu.memory_space<hbm>>
    tpu.enqueue_indirect_dma source(%dma_start3A_195 : memref<100001x128xf32, #tpu.memory_space<hbm>>) target(%arg8 : memref<128x128xf32, #tpu.memory_space<vmem>>) offsets(%dma_start3A_192 : memref<128xi32, #tpu.memory_space<vmem>>) semaphore(%arg14 : memref<!tpu.dma_semaphore, #tpu.memory_space<semaphore_mem>>)
    %dma_wait3A_196 = arith.constant 197 : i32
    %dma_wait3A_197 = arith.constant 0 : i32
    %dma_wait3A_198 = tpu.memref_slice %arg5[%dma_wait3A_196, %dma_wait3A_197] : memref<200x128xi32, #tpu.memory_space<vmem>> -> memref<1x128xi32, #tpu.memory_space<vmem>>
    %dma_wait3A_199 = tpu.memref_squeeze %dma_wait3A_198 : memref<1x128xi32, #tpu.memory_space<vmem>> -> memref<128xi32, #tpu.memory_space<vmem>>
    %dma_wait3A_200 = arith.constant 0 : i32
    %dma_wait3A_201 = arith.constant 0 : i32
    %dma_wait3A_202 = tpu.memref_slice %arg2[%dma_wait3A_200, %dma_wait3A_201] : memref<100001x128xf32, #tpu.memory_space<hbm>> -> memref<100001x128xf32, #tpu.memory_space<hbm>>
    tpu.wait_indirect_dma semaphore(%arg13 : memref<!tpu.dma_semaphore, #tpu.memory_space<semaphore_mem>>) src(%dma_wait3A_202 : memref<100001x128xf32, #tpu.memory_space<hbm>>) dst(%arg7 : memref<128x128xf32, #tpu.memory_space<vmem>>)
    %mul3A_203 = arith.constant 128 : i32
    %mul3A_204 = arith.muli %arg1, %mul3A_203 : i32
    %dma_wait3A_205 = arith.constant 0 : i32
    %dma_wait3A_206 = tpu.memref_slice %arg4[%mul3A_2, %dma_wait3A_205] : memref<819200x128xf32, #tpu.memory_space<hbm>> -> memref<128x128xf32, #tpu.memory_space<hbm>>
    %dma_wait3A_207 = arith.constant 0 : i32
    %dma_wait3A_208 = tpu.memref_slice %arg11[%mul3A_204, %dma_wait3A_207] : memref<2048x128xf32, #tpu.memory_space<vmem_shared>> -> memref<128x128xf32, #tpu.memory_space<vmem_shared>>
    tpu.wait_dma2 semaphore(%arg21 : memref<!tpu.dma_semaphore, #tpu.memory_space<semaphore_mem>>) src(%dma_wait3A_208 : memref<128x128xf32, #tpu.memory_space<vmem_shared>>) dst(%dma_wait3A_206 : memref<128x128xf32, #tpu.memory_space<hbm>>)
    %mul3A_209 = arith.constant 128 : i32
    %mul3A_210 = arith.muli %arg1, %mul3A_209 : i32
    %dma_start3A_211 = arith.constant 0 : i32
    %dma_start3A_212 = tpu.memref_slice %arg11[%mul3A_210, %dma_start3A_211] : memref<2048x128xf32, #tpu.memory_space<vmem_shared>> -> memref<128x128xf32, #tpu.memory_space<vmem_shared>>
    %dma_start3A_213 = arith.constant 0 : i32
    %dma_start3A_214 = tpu.memref_slice %arg11[%mul3A_210, %dma_start3A_213] : memref<2048x128xf32, #tpu.memory_space<vmem_shared>> -> memref<128x128xf32, #tpu.memory_space<vmem_shared>>
    tpu.enqueue_dma source(%arg7 : memref<128x128xf32, #tpu.memory_space<vmem>>) target(%dma_start3A_214 : memref<128x128xf32, #tpu.memory_space<vmem_shared>>) target_semaphore(%arg17 : memref<!tpu.dma_semaphore, #tpu.memory_space<semaphore_mem>>)
    %mul3A_215 = arith.constant 128 : i32
    %mul3A_216 = arith.muli %arg1, %mul3A_215 : i32
    %dma_wait3A_217 = arith.constant 0 : i32
    %dma_wait3A_218 = tpu.memref_slice %arg10[%mul3A_216, %dma_wait3A_217] : memref<2048x128xf32, #tpu.memory_space<vmem_shared>> -> memref<128x128xf32, #tpu.memory_space<vmem_shared>>
    %dma_wait3A_219 = arith.constant 0 : i32
    %dma_wait3A_220 = tpu.memref_slice %arg10[%mul3A_216, %dma_wait3A_219] : memref<2048x128xf32, #tpu.memory_space<vmem_shared>> -> memref<128x128xf32, #tpu.memory_space<vmem_shared>>
    tpu.wait_dma2 semaphore(%arg16 : memref<!tpu.dma_semaphore, #tpu.memory_space<semaphore_mem>>) src(%arg6 : memref<128x128xf32, #tpu.memory_space<vmem>>) dst(%dma_wait3A_220 : memref<128x128xf32, #tpu.memory_space<vmem_shared>>)
    %mul3A_221 = arith.constant 128 : i32
    %mul3A_222 = arith.muli %arg1, %mul3A_221 : i32
    %add3A_223 = arith.constant 25088 : i32
    %add3A_224 = arith.addi %mul3A_2, %add3A_223 : i32
    %dma_start3A_225 = arith.constant 0 : i32
    %dma_start3A_226 = tpu.memref_slice %arg4[%add3A_224, %dma_start3A_225] : memref<819200x128xf32, #tpu.memory_space<hbm>> -> memref<128x128xf32, #tpu.memory_space<hbm>>
    %dma_start3A_227 = arith.constant 0 : i32
    %dma_start3A_228 = tpu.memref_slice %arg10[%mul3A_222, %dma_start3A_227] : memref<2048x128xf32, #tpu.memory_space<vmem_shared>> -> memref<128x128xf32, #tpu.memory_space<vmem_shared>>
    tpu.enqueue_dma source(%dma_start3A_228 : memref<128x128xf32, #tpu.memory_space<vmem_shared>>) target(%dma_start3A_226 : memref<128x128xf32, #tpu.memory_space<hbm>>) target_semaphore(%arg20 : memref<!tpu.dma_semaphore, #tpu.memory_space<semaphore_mem>>)
    %dma_start3A_229 = arith.constant 199 : i32
    %dma_start3A_230 = arith.constant 0 : i32
    %dma_start3A_231 = tpu.memref_slice %arg5[%dma_start3A_229, %dma_start3A_230] : memref<200x128xi32, #tpu.memory_space<vmem>> -> memref<1x128xi32, #tpu.memory_space<vmem>>
    %dma_start3A_232 = tpu.memref_squeeze %dma_start3A_231 : memref<1x128xi32, #tpu.memory_space<vmem>> -> memref<128xi32, #tpu.memory_space<vmem>>
    %dma_start3A_233 = arith.constant 0 : i32
    %dma_start3A_234 = arith.constant 0 : i32
    %dma_start3A_235 = tpu.memref_slice %arg2[%dma_start3A_233, %dma_start3A_234] : memref<100001x128xf32, #tpu.memory_space<hbm>> -> memref<100001x128xf32, #tpu.memory_space<hbm>>
    tpu.enqueue_indirect_dma source(%dma_start3A_235 : memref<100001x128xf32, #tpu.memory_space<hbm>>) target(%arg9 : memref<128x128xf32, #tpu.memory_space<vmem>>) offsets(%dma_start3A_232 : memref<128xi32, #tpu.memory_space<vmem>>) semaphore(%arg15 : memref<!tpu.dma_semaphore, #tpu.memory_space<semaphore_mem>>)
    %dma_wait3A_236 = arith.constant 198 : i32
    %dma_wait3A_237 = arith.constant 0 : i32
    %dma_wait3A_238 = tpu.memref_slice %arg5[%dma_wait3A_236, %dma_wait3A_237] : memref<200x128xi32, #tpu.memory_space<vmem>> -> memref<1x128xi32, #tpu.memory_space<vmem>>
    %dma_wait3A_239 = tpu.memref_squeeze %dma_wait3A_238 : memref<1x128xi32, #tpu.memory_space<vmem>> -> memref<128xi32, #tpu.memory_space<vmem>>
    %dma_wait3A_240 = arith.constant 0 : i32
    %dma_wait3A_241 = arith.constant 0 : i32
    %dma_wait3A_242 = tpu.memref_slice %arg2[%dma_wait3A_240, %dma_wait3A_241] : memref<100001x128xf32, #tpu.memory_space<hbm>> -> memref<100001x128xf32, #tpu.memory_space<hbm>>
    tpu.wait_indirect_dma semaphore(%arg14 : memref<!tpu.dma_semaphore, #tpu.memory_space<semaphore_mem>>) src(%dma_wait3A_242 : memref<100001x128xf32, #tpu.memory_space<hbm>>) dst(%arg8 : memref<128x128xf32, #tpu.memory_space<vmem>>)
    %mul3A_243 = arith.constant 128 : i32
    %mul3A_244 = arith.muli %arg1, %mul3A_243 : i32
    %dma_wait3A_245 = arith.constant 0 : i32
    %dma_wait3A_246 = tpu.memref_slice %arg4[%mul3A_2, %dma_wait3A_245] : memref<819200x128xf32, #tpu.memory_space<hbm>> -> memref<128x128xf32, #tpu.memory_space<hbm>>
    %dma_wait3A_247 = arith.constant 0 : i32
    %dma_wait3A_248 = tpu.memref_slice %arg10[%mul3A_244, %dma_wait3A_247] : memref<2048x128xf32, #tpu.memory_space<vmem_shared>> -> memref<128x128xf32, #tpu.memory_space<vmem_shared>>
    tpu.wait_dma2 semaphore(%arg20 : memref<!tpu.dma_semaphore, #tpu.memory_space<semaphore_mem>>) src(%dma_wait3A_248 : memref<128x128xf32, #tpu.memory_space<vmem_shared>>) dst(%dma_wait3A_246 : memref<128x128xf32, #tpu.memory_space<hbm>>)
    %mul3A_249 = arith.constant 128 : i32
    %mul3A_250 = arith.muli %arg1, %mul3A_249 : i32
    %dma_start3A_251 = arith.constant 0 : i32
    %dma_start3A_252 = tpu.memref_slice %arg10[%mul3A_250, %dma_start3A_251] : memref<2048x128xf32, #tpu.memory_space<vmem_shared>> -> memref<128x128xf32, #tpu.memory_space<vmem_shared>>
    %dma_start3A_253 = arith.constant 0 : i32
    %dma_start3A_254 = tpu.memref_slice %arg10[%mul3A_250, %dma_start3A_253] : memref<2048x128xf32, #tpu.memory_space<vmem_shared>> -> memref<128x128xf32, #tpu.memory_space<vmem_shared>>
    tpu.enqueue_dma source(%arg8 : memref<128x128xf32, #tpu.memory_space<vmem>>) target(%dma_start3A_254 : memref<128x128xf32, #tpu.memory_space<vmem_shared>>) target_semaphore(%arg18 : memref<!tpu.dma_semaphore, #tpu.memory_space<semaphore_mem>>)
    %mul3A_255 = arith.constant 128 : i32
    %mul3A_256 = arith.muli %arg1, %mul3A_255 : i32
    %dma_wait3A_257 = arith.constant 0 : i32
    %dma_wait3A_258 = tpu.memref_slice %arg11[%mul3A_256, %dma_wait3A_257] : memref<2048x128xf32, #tpu.memory_space<vmem_shared>> -> memref<128x128xf32, #tpu.memory_space<vmem_shared>>
    %dma_wait3A_259 = arith.constant 0 : i32
    %dma_wait3A_260 = tpu.memref_slice %arg11[%mul3A_256, %dma_wait3A_259] : memref<2048x128xf32, #tpu.memory_space<vmem_shared>> -> memref<128x128xf32, #tpu.memory_space<vmem_shared>>
    tpu.wait_dma2 semaphore(%arg17 : memref<!tpu.dma_semaphore, #tpu.memory_space<semaphore_mem>>) src(%arg7 : memref<128x128xf32, #tpu.memory_space<vmem>>) dst(%dma_wait3A_260 : memref<128x128xf32, #tpu.memory_space<vmem_shared>>)
    %mul3A_261 = arith.constant 128 : i32
    %mul3A_262 = arith.muli %arg1, %mul3A_261 : i32
    %add3A_263 = arith.constant 25216 : i32
    %add3A_264 = arith.addi %mul3A_2, %add3A_263 : i32
    %dma_start3A_265 = arith.constant 0 : i32
    %dma_start3A_266 = tpu.memref_slice %arg4[%add3A_264, %dma_start3A_265] : memref<819200x128xf32, #tpu.memory_space<hbm>> -> memref<128x128xf32, #tpu.memory_space<hbm>>
    %dma_start3A_267 = arith.constant 0 : i32
    %dma_start3A_268 = tpu.memref_slice %arg11[%mul3A_262, %dma_start3A_267] : memref<2048x128xf32, #tpu.memory_space<vmem_shared>> -> memref<128x128xf32, #tpu.memory_space<vmem_shared>>
    tpu.enqueue_dma source(%dma_start3A_268 : memref<128x128xf32, #tpu.memory_space<vmem_shared>>) target(%dma_start3A_266 : memref<128x128xf32, #tpu.memory_space<hbm>>) target_semaphore(%arg21 : memref<!tpu.dma_semaphore, #tpu.memory_space<semaphore_mem>>)
    %dma_wait3A_269 = arith.constant 199 : i32
    %dma_wait3A_270 = arith.constant 0 : i32
    %dma_wait3A_271 = tpu.memref_slice %arg5[%dma_wait3A_269, %dma_wait3A_270] : memref<200x128xi32, #tpu.memory_space<vmem>> -> memref<1x128xi32, #tpu.memory_space<vmem>>
    %dma_wait3A_272 = tpu.memref_squeeze %dma_wait3A_271 : memref<1x128xi32, #tpu.memory_space<vmem>> -> memref<128xi32, #tpu.memory_space<vmem>>
    %dma_wait3A_273 = arith.constant 0 : i32
    %dma_wait3A_274 = arith.constant 0 : i32
    %dma_wait3A_275 = tpu.memref_slice %arg2[%dma_wait3A_273, %dma_wait3A_274] : memref<100001x128xf32, #tpu.memory_space<hbm>> -> memref<100001x128xf32, #tpu.memory_space<hbm>>
    tpu.wait_indirect_dma semaphore(%arg15 : memref<!tpu.dma_semaphore, #tpu.memory_space<semaphore_mem>>) src(%dma_wait3A_275 : memref<100001x128xf32, #tpu.memory_space<hbm>>) dst(%arg9 : memref<128x128xf32, #tpu.memory_space<vmem>>)
    %mul3A_276 = arith.constant 128 : i32
    %mul3A_277 = arith.muli %arg1, %mul3A_276 : i32
    %dma_wait3A_278 = arith.constant 0 : i32
    %dma_wait3A_279 = tpu.memref_slice %arg4[%mul3A_2, %dma_wait3A_278] : memref<819200x128xf32, #tpu.memory_space<hbm>> -> memref<128x128xf32, #tpu.memory_space<hbm>>
    %dma_wait3A_280 = arith.constant 0 : i32
    %dma_wait3A_281 = tpu.memref_slice %arg11[%mul3A_277, %dma_wait3A_280] : memref<2048x128xf32, #tpu.memory_space<vmem_shared>> -> memref<128x128xf32, #tpu.memory_space<vmem_shared>>
    tpu.wait_dma2 semaphore(%arg21 : memref<!tpu.dma_semaphore, #tpu.memory_space<semaphore_mem>>) src(%dma_wait3A_281 : memref<128x128xf32, #tpu.memory_space<vmem_shared>>) dst(%dma_wait3A_279 : memref<128x128xf32, #tpu.memory_space<hbm>>)
    %mul3A_282 = arith.constant 128 : i32
    %mul3A_283 = arith.muli %arg1, %mul3A_282 : i32
    %dma_start3A_284 = arith.constant 0 : i32
    %dma_start3A_285 = tpu.memref_slice %arg11[%mul3A_283, %dma_start3A_284] : memref<2048x128xf32, #tpu.memory_space<vmem_shared>> -> memref<128x128xf32, #tpu.memory_space<vmem_shared>>
    %dma_start3A_286 = arith.constant 0 : i32
    %dma_start3A_287 = tpu.memref_slice %arg11[%mul3A_283, %dma_start3A_286] : memref<2048x128xf32, #tpu.memory_space<vmem_shared>> -> memref<128x128xf32, #tpu.memory_space<vmem_shared>>
    tpu.enqueue_dma source(%arg9 : memref<128x128xf32, #tpu.memory_space<vmem>>) target(%dma_start3A_287 : memref<128x128xf32, #tpu.memory_space<vmem_shared>>) target_semaphore(%arg19 : memref<!tpu.dma_semaphore, #tpu.memory_space<semaphore_mem>>)
    %mul3A_288 = arith.constant 128 : i32
    %mul3A_289 = arith.muli %arg1, %mul3A_288 : i32
    %dma_wait3A_290 = arith.constant 0 : i32
    %dma_wait3A_291 = tpu.memref_slice %arg10[%mul3A_289, %dma_wait3A_290] : memref<2048x128xf32, #tpu.memory_space<vmem_shared>> -> memref<128x128xf32, #tpu.memory_space<vmem_shared>>
    %dma_wait3A_292 = arith.constant 0 : i32
    %dma_wait3A_293 = tpu.memref_slice %arg10[%mul3A_289, %dma_wait3A_292] : memref<2048x128xf32, #tpu.memory_space<vmem_shared>> -> memref<128x128xf32, #tpu.memory_space<vmem_shared>>
    tpu.wait_dma2 semaphore(%arg18 : memref<!tpu.dma_semaphore, #tpu.memory_space<semaphore_mem>>) src(%arg8 : memref<128x128xf32, #tpu.memory_space<vmem>>) dst(%dma_wait3A_293 : memref<128x128xf32, #tpu.memory_space<vmem_shared>>)
    %mul3A_294 = arith.constant 128 : i32
    %mul3A_295 = arith.muli %arg1, %mul3A_294 : i32
    %add3A_296 = arith.constant 25344 : i32
    %add3A_297 = arith.addi %mul3A_2, %add3A_296 : i32
    %dma_start3A_298 = arith.constant 0 : i32
    %dma_start3A_299 = tpu.memref_slice %arg4[%add3A_297, %dma_start3A_298] : memref<819200x128xf32, #tpu.memory_space<hbm>> -> memref<128x128xf32, #tpu.memory_space<hbm>>
    %dma_start3A_300 = arith.constant 0 : i32
    %dma_start3A_301 = tpu.memref_slice %arg10[%mul3A_295, %dma_start3A_300] : memref<2048x128xf32, #tpu.memory_space<vmem_shared>> -> memref<128x128xf32, #tpu.memory_space<vmem_shared>>
    tpu.enqueue_dma source(%dma_start3A_301 : memref<128x128xf32, #tpu.memory_space<vmem_shared>>) target(%dma_start3A_299 : memref<128x128xf32, #tpu.memory_space<hbm>>) target_semaphore(%arg20 : memref<!tpu.dma_semaphore, #tpu.memory_space<semaphore_mem>>)
    %mul3A_302 = arith.constant 128 : i32
    %mul3A_303 = arith.muli %arg1, %mul3A_302 : i32
    %dma_wait3A_304 = arith.constant 0 : i32
    %dma_wait3A_305 = tpu.memref_slice %arg11[%mul3A_303, %dma_wait3A_304] : memref<2048x128xf32, #tpu.memory_space<vmem_shared>> -> memref<128x128xf32, #tpu.memory_space<vmem_shared>>
    %dma_wait3A_306 = arith.constant 0 : i32
    %dma_wait3A_307 = tpu.memref_slice %arg11[%mul3A_303, %dma_wait3A_306] : memref<2048x128xf32, #tpu.memory_space<vmem_shared>> -> memref<128x128xf32, #tpu.memory_space<vmem_shared>>
    tpu.wait_dma2 semaphore(%arg19 : memref<!tpu.dma_semaphore, #tpu.memory_space<semaphore_mem>>) src(%arg9 : memref<128x128xf32, #tpu.memory_space<vmem>>) dst(%dma_wait3A_307 : memref<128x128xf32, #tpu.memory_space<vmem_shared>>)
    %mul3A_308 = arith.constant 128 : i32
    %mul3A_309 = arith.muli %arg1, %mul3A_308 : i32
    %add3A_310 = arith.constant 25472 : i32
    %add3A_311 = arith.addi %mul3A_2, %add3A_310 : i32
    %dma_start3A_312 = arith.constant 0 : i32
    %dma_start3A_313 = tpu.memref_slice %arg4[%add3A_311, %dma_start3A_312] : memref<819200x128xf32, #tpu.memory_space<hbm>> -> memref<128x128xf32, #tpu.memory_space<hbm>>
    %dma_start3A_314 = arith.constant 0 : i32
    %dma_start3A_315 = tpu.memref_slice %arg11[%mul3A_309, %dma_start3A_314] : memref<2048x128xf32, #tpu.memory_space<vmem_shared>> -> memref<128x128xf32, #tpu.memory_space<vmem_shared>>
    tpu.enqueue_dma source(%dma_start3A_315 : memref<128x128xf32, #tpu.memory_space<vmem_shared>>) target(%dma_start3A_313 : memref<128x128xf32, #tpu.memory_space<hbm>>) target_semaphore(%arg21 : memref<!tpu.dma_semaphore, #tpu.memory_space<semaphore_mem>>)
    %mul3A_316 = arith.constant 128 : i32
    %mul3A_317 = arith.muli %arg1, %mul3A_316 : i32
    %dma_wait3A_318 = arith.constant 0 : i32
    %dma_wait3A_319 = tpu.memref_slice %arg4[%mul3A_2, %dma_wait3A_318] : memref<819200x128xf32, #tpu.memory_space<hbm>> -> memref<128x128xf32, #tpu.memory_space<hbm>>
    %dma_wait3A_320 = arith.constant 0 : i32
    %dma_wait3A_321 = tpu.memref_slice %arg10[%mul3A_317, %dma_wait3A_320] : memref<2048x128xf32, #tpu.memory_space<vmem_shared>> -> memref<128x128xf32, #tpu.memory_space<vmem_shared>>
    tpu.wait_dma2 semaphore(%arg20 : memref<!tpu.dma_semaphore, #tpu.memory_space<semaphore_mem>>) src(%dma_wait3A_321 : memref<128x128xf32, #tpu.memory_space<vmem_shared>>) dst(%dma_wait3A_319 : memref<128x128xf32, #tpu.memory_space<hbm>>)
    %mul3A_322 = arith.constant 128 : i32
    %mul3A_323 = arith.muli %arg1, %mul3A_322 : i32
    %dma_wait3A_324 = arith.constant 0 : i32
    %dma_wait3A_325 = tpu.memref_slice %arg4[%mul3A_2, %dma_wait3A_324] : memref<819200x128xf32, #tpu.memory_space<hbm>> -> memref<128x128xf32, #tpu.memory_space<hbm>>
    %dma_wait3A_326 = arith.constant 0 : i32
    %dma_wait3A_327 = tpu.memref_slice %arg11[%mul3A_323, %dma_wait3A_326] : memref<2048x128xf32, #tpu.memory_space<vmem_shared>> -> memref<128x128xf32, #tpu.memory_space<vmem_shared>>
    tpu.wait_dma2 semaphore(%arg21 : memref<!tpu.dma_semaphore, #tpu.memory_space<semaphore_mem>>) src(%dma_wait3A_327 : memref<128x128xf32, #tpu.memory_space<vmem_shared>>) dst(%dma_wait3A_325 : memref<128x128xf32, #tpu.memory_space<hbm>>)
    return
  }
}

</mosaic_0001>

<sc_bundles>
// kernel: kernel.3.cloned.1.call-start
scs
__scs_entry_jumppad:
0x0: {  	(pc) =	sbr.rel $0x88, $3  }
0x1: {  	(tag) =	ssettag $0x0;
	lr =	simm.s32 $0x1  }
0x2: {  	[smem:$0x3F9F] =	sst lr;
	_ =	strace $0xD0000000  }
0x3: {  	_ = 	snop  }
0x4: {  	_ = 	snop  }
0x5: {  	_ = 	snop  }
0x6: {  	_ = 	snop  }
0x7: {  	_ = 	snop  }
__scs_overlays_trampoline_lowered:
0x8: {  	[smem:$0x3FAE] =	sst s0  }
0x9: {  	[smem:$0x3FAF] =	sst s1  }
0xa: {  	[smem:$0x3FB0] =	sst s2  }
0xb: {  	[smem:$0x3FB1] =	sst s3  }
0xc: {  	[smem:$0x3FB2] =	sst s4  }
0xd: {  	[smem:$0x3FB3] =	sst s5  }
0xe: {  	[smem:$0x3FB4] =	sst s6  }
0xf: {  	[smem:$0x3FB5] =	sst s7  }
0x10: {  	[smem:$0x3FB6] =	sst s8  }
0x11: {  	[smem:$0x3FB7] =	sst s9;
	s0 =	simm.s32 @!p0 $0x0  }
0x12: {  	s1 =	sld [smem:$0x3F9D];
	s0 =	simm.s32 @p0 $0x1  }
0x13: {  	[smem:$0x3FB8] =	sst s0;
	s0 =	simm.s32 @!p1 $0x0  }
0x14: {  	s2 =	sld [smem:$0x3F9C];
	s0 =	simm.s32 @p1 $0x1  }
0x15: {  	[smem:$0x3FB9] =	sst s0;
	s0 =	simm.s32 @!p2 $0x0  }
0x16: {  	s3 =	sld [smem:$0x3FDB];
	s0 =	simm.s32 @p2 $0x1  }
0x17: {  	s4 =	simm.s32 $0x1BF5;
	[smem:$0x3FBB] =	sst s0  }
0x18: {  	s0 =	sld [smem:$0x3F9E];
	_ =	swait.ge [sflag:s4], $0x0  }
0x19: {  	s7 =	sld [smem:$0x3F9F]  }
0x1a: {  	s8 =	sadd.s32 $0xFFFFE003, lr  }
0x1b: {  	s9 =	sadd.s32 $0xFFFFFEF7, lr;
	s5 =	simm.s32 $0xFFFFFFFF;
	p2 =	slt.u32 s8, $0xFFFFF086  }
0x1c: {  	p1 =	slt.u32 s9, $0xF7A;
	s5 =	simm.s32 @!p2 $0x0  }
0x1d: {  	s5 =	simm.s32 @p1 $0x1;
	p0 =	seq.s32 s7, s2  }
0x1e: {  	s7 =	smul.u32 @!p0 $0xF7A, s2;
	p2 =	seq.s32 @!p0 s5, $0x0  }
0x1f: {  	s9 =	smul.u32 $0xF7A, s1;
	s8 =	simm.s32 @!p0 $0x1BF5;
	p2 =	por !p2, p0  }
0x20: {  	[sflag:s8] =	ssyncset.s32 @!p0 $0xFFFFF086;
	s6 =	sadd.s32 @!p0 s3, s7;
	s7 =	simm.s32 @!p0 $0x108  }
0x21: {  	s3 =	sadd.s32 s3, s9;
	s6 =	sadd.s32 @!p0 $0x88, s6;
	s7 =	simm.s32 @p2 $0x1082  }
0x22: {  	[simem:s7], [sflag:s8] =	dma.local @!p0 [hbm:s6], $0xF7A  }
0x23: {  	s9 =	sor.u32 $0xD0000000, s2;
	s6 =	simm.s32 $0x108;
	_ =	swait.ge @!p0 [sflag:s8], $0x0  }
0x24: {  	s3 =	sadd.s32 $0x88, s3;
	s6 =	simm.s32 @!p1 $0x1082;
	[sflag:s4] =	ssyncset.s32 $0xFFFFF086  }
0x25: {  	[simem:s6], [sflag:s4] =	dma.local [hbm:s3], $0xF7A  }
0x26: {  	[smem:$0x3F9F] =	sst s1;
	(tag) =	ssettag s2;
	_ =	strace s9  }
0x27: {  	s1 =	sld [smem:$0x3FAF]  }
0x28: {  	s2 =	sld [smem:$0x3FB0]  }
0x29: {  	s4 =	sld [smem:$0x3FB2]  }
0x2a: {  	p0 =	seq.s32 s5, $0x0;
	s5 =	sld [smem:$0x3FB3]  }
0x2b: {  	s6 =	sld [smem:$0x3FB4]  }
0x2c: {  	s7 =	sld [smem:$0x3FB5]  }
0x2d: {  	s3 =	simm.s32 $0x108;
	s8 =	sld [smem:$0x3FB6]  }
0x2e: {  	s3 =	simm.s32 @!p0 $0x1082;
	s9 =	sld [smem:$0x3FB7]  }
0x2f: {  	lr =	sadd.s32 s0, s3;
	s0 =	sld [smem:$0x3FAE]  }
0x30: {  	s3 =	sld [smem:$0x3FB1]  }
0x31: {  	[smem:$0x3FBA] =	sst s10  }
0x32: {  	s10 =	sld [smem:$0x3FB8];
	_ =	sdelay $0x3  }
0x33: {  	p0 =	seq.s32 s10, $0x1;
	s10 =	sld [smem:$0x3FBA];
	_ =	sdelay $0x3  }
0x34: {  	[smem:$0x3FBA] =	sst s10  }
0x35: {  	s10 =	sld [smem:$0x3FB9];
	_ =	sdelay $0x3  }
0x36: {  	p1 =	seq.s32 s10, $0x1;
	s10 =	sld [smem:$0x3FBA];
	_ =	sdelay $0x3  }
0x37: {  	[smem:$0x3FBA] =	sst s10  }
0x38: {  	s10 =	sld [smem:$0x3FBB]  }
0x39: {  	_ = 	snop;
	(pc) =	sbr.ind lr, $3  }
0x3a: {  	_ = 	snop  }
0x3b: {  	_ = 	snop  }
0x3c: {  	p2 =	seq.s32 s10, $0x1;
	s10 =	sld [smem:$0x3FBA]  }
0x3d: {  	_ =	shalt  }
0x3e: {  	_ =	shalt  }
0x3f: {  	_ =	shalt  }
0x40: {  	_ =	shalt  }
0x41: {  	_ =	shalt  }
0x42: {  	_ =	shalt  }
0x43: {  	_ =	shalt  }
0x44: {  	_ =	shalt  }
0x45: {  	_ =	shalt  }
0x46: {  	_ =	shalt  }
0x47: {  	_ =	shalt  }
0x48: {  	_ =	shalt  }
0x49: {  	_ =	shalt  }
0x4a: {  	_ =	shalt  }
0x4b: {  	_ =	shalt  }
0x4c: {  	_ =	shalt  }
0x4d: {  	_ =	shalt  }
0x4e: {  	_ =	shalt  }
0x4f: {  	_ =	shalt  }
0x50: {  	_ =	shalt  }
0x51: {  	_ =	shalt  }
0x52: {  	_ =	shalt  }
0x53: {  	_ =	shalt  }
0x54: {  	_ =	shalt  }
0x55: {  	_ =	shalt  }
0x56: {  	_ =	shalt  }
0x57: {  	_ =	shalt  }
0x58: {  	_ =	shalt  }
0x59: {  	_ =	shalt  }
0x5a: {  	_ =	shalt  }
0x5b: {  	_ =	shalt  }
0x5c: {  	_ =	shalt  }
0x5d: {  	_ =	shalt  }
0x5e: {  	_ =	shalt  }
0x5f: {  	_ =	shalt  }
0x60: {  	_ =	shalt  }
0x61: {  	_ =	shalt  }
0x62: {  	_ =	shalt  }
0x63: {  	_ =	shalt  }
0x64: {  	_ =	shalt  }
0x65: {  	_ =	shalt  }
0x66: {  	_ =	shalt  }
0x67: {  	_ =	shalt  }
0x68: {  	_ =	shalt  }
0x69: {  	_ =	shalt  }
0x6a: {  	_ =	shalt  }
0x6b: {  	_ =	shalt  }
0x6c: {  	_ =	shalt  }
0x6d: {  	_ =	shalt  }
0x6e: {  	_ =	shalt  }
0x6f: {  	_ =	shalt  }
0x70: {  	_ =	shalt  }
0x71: {  	_ =	shalt  }
0x72: {  	_ =	shalt  }
0x73: {  	_ =	shalt  }
0x74: {  	_ =	shalt  }
0x75: {  	_ =	shalt  }
0x76: {  	_ =	shalt  }
0x77: {  	_ =	shalt  }
0x78: {  	_ =	shalt  }
0x79: {  	_ =	shalt  }
0x7a: {  	_ =	shalt  }
0x7b: {  	_ =	shalt  }
0x7c: {  	_ =	shalt  }
0x7d: {  	_ =	shalt  }
0x7e: {  	_ =	shalt  }
0x7f: {  	_ =	shalt  }
0x80: {  	_ =	shalt  }
0x81: {  	_ =	shalt  }
0x82: {  	_ =	shalt  }
0x83: {  	_ =	shalt  }
0x84: {  	_ =	shalt  }
0x85: {  	_ =	shalt  }
0x86: {  	_ =	shalt  }
0x87: {  	_ =	shalt  }
.Lfunc_end0:
.L_simem_size_0:
called_computation_lowered:
.L_overlay_start_0:
0x88: {  	s2 =	sld [smem:$0x3FD9]  }
0x89: {  	s3 =	sld [smem:$0x3FFE];
	_ =	sdelay $0x1  }
0x8a: {  	s1 =	srdreg.scid  }
0x8b: {  	s0 =	sand.u32 $0x1, s1  }
0x8c: {  	s17 =	sshll.u32 s0, $0xA;
	s2 =	sadd.s32 s3, s2  }
0x8d: {  	s2 =	sadd.s32 s2, s17  }
0x8e: {  	[smem:$0x3FC6] =	sst s2  }
0x8f: {  	_ = 	snop  }
0x90: {  	s2 =	sld [smem:$0x3FC8]  }
0x91: {  	s18 =	sld [smem:$0x3FD0];
	(tm) =	ssettm $0x1  }
0x92: {  	s4 =	sld [smem:$0x3FFB];
	_ =	sdelay $0x3  }
0x93: {  	_ =	strace s4  }
0x94: {  	s4 =	sld [smem:$0x3FFC];
	_ =	sdelay $0x3  }
0x95: {  	_ =	strace s4  }
0x96: {  	s4 =	sld [smem:$0x3FFD];
	_ =	sdelay $0x3  }
0x97: {  	_ =	strace s4  }
0x98: {  	_ =	strace $0x8FFFFFFF  }
0x99: {  	s19 =	sld [smem:$0x3FDB];
	_ =	sdelay $0x1  }
0x9a: {  	s5 =	simm.s32 $_scs_section_size  }
0x9b: {  	s6 =	simm.s32 $_size__tile_overlayer_lowered;
	s7 =	simm.s32 $_tile_overlayer_lowered  }
0x9c: {  	s22 =	simm.s32 $0x1BFF;
	s21 =	sshll.u32 s7, $0x1;
	s4 =	sadd.s32 s5, s19  }
0x9d: {  	s8 =	simm.s32 $0x0;
	s20 =	sshll.u32 s6, $0x1;
	s6 =	sadd.s32 s21, s4  }
0x9e: {  	[timem:s8], [sflag:s22] =	dma.local [hbm:s6], s20  }
0x9f: {  	_ =	swait.ge [sflag:s22], s20  }
0xa0: {  	s5 =	ssub.s32 $0x0, s20;
	[sflag:s22] =	ssyncset.done $0x0  }
0xa1: {  	[sflag:s22] =	ssyncadd.s32 s5;
	_ =	sdelay $0x1  }
0xa2: {  	s23 =	simm.s32 $0x1B8B  }
0xa3: {  	_ =	swait.ge [sflag:s23], $0x1  }
0xa4: {  	[sflag:s23] =	ssyncset.done $0x0  }
0xa5: {  	s25 =	simm.s32 $0x1B8E;
	s24 =	sld [smem:$0x3FFE];
	[sflag:s23] =	ssyncadd.s32 $0xFFFFFFFF  }
0xa6: {  	s26 =	simm.s32 $execute0_lowered;
	[smem:$0x3FD2] =	sst s25  }
0xa7: {  	s6 =	sshll.u32 s26, $0x1;
	_ =	strace $0x80000046;
	[dreg:$0x1] =	wrdreg $0xFFFFFFFF  }
0xa8: {  	s28 =	simm.s32 $_size_execute0_lowered;
	s4 =	sadd.s32 s4, s6;
	[dreg:$0x0] =	wrdreg $0x0  }
0xa9: {  	s6 =	sshll.u32 s28, $0x1;
	[dreg:$0x2] =	wrdreg s4  }
0xaa: {  	[dreg:$0x3] =	wrdreg s6  }
0xab: {  	[dreg:$0x4] =	wrdreg $0xC0  }
0xac: {  	_ =	task [dreg:s8], $0x5FFFF  }
0xad: {  	[dreg:$0x1] =	wrdreg $0xFFFFFFFF  }
0xae: {  	[dreg:$0x0] =	wrdreg $0x60  }
0xaf: {  	[dreg:$0x2] =	wrdreg s2  }
0xb0: {  	[dreg:$0x3] =	wrdreg s24  }
0xb1: {  	[dreg:$0x4] =	wrdreg s18  }
0xb2: {  	[dreg:$0x5] =	wrdreg $0x164000  }
0xb3: {  	[dreg:$0x6] =	wrdreg $0x1A4000  }
0xb4: {  	[dreg:$0x7] =	wrdreg $0x9  }
0xb5: {  	_ =	task.clear_ibuf [dreg:s8], $0x8FFFF;
	_ =	strace $0x90000046  }
0xb6: {  	s29 =	simm.s32 $0x9;
	_ =	strace $0x80000048  }
0xb7: {  	_ =	swait.ge [sflag:s29], $0x1  }
0xb8: {  	[sflag:s29] =	ssyncadd.s32 $0xFFFFFFFF  }
0xb9: {  	_ =	strace $0x90000048  }
0xba: {  	_ =	sfence  }
0xbb: {  	s30 =	sld [smem:$0x0];
	_ =	sdelay $0x2  }
0xbc: {  	s31 =	sshll.u32 s1, $0xD;
	s1 =	sshrl.u32 s1, $0x2  }
0xbd: {  	s3 =	sand.u32 $0x4000, s31;
	s1 =	sadd.s32 s1, s30  }
0xbe: {  	s0 =	sor.u32 s3, s0;
	s1 =	sshll.u32 s1, $0x11  }
0xbf: {  	s0 =	sor.u32 s1, s0  }
0xc0: {  	s0 =	sadd.s32 $0x8F2B, s0  }
0xc1: {  	[sflag:s0] =	ssyncadd.remote.s32 $0x1  }
0xc2: {  	_ =	sfence.sel $0xFFFF  }
0xc3: {  	[dreg:$0x0] =	wrdreg $0xFFFFFFFF;
	(pc) =	sbr.abs _section_cstart, $3  }
0xc4: {  	[dreg:$0x1] =	wrdreg $0xFFFFFFFF  }
0xc5: {  	_ =	task.clear_ibuf [dreg:s8], $0x2FFFF;
	_ =	strace $0x9FFFFFFF  }
0xc6: {  	(tm) =	ssettm $0x7FFFFFFF  }
0xc7: {  	_ =	shalt  }
tec
execute0_lowered:
.L_overlay_start_1:
0x0: {  	(tag) =	ssettag $0x1  }
0x1: {  	s0 =	rddreg [dreg:$0x0]  }
0x2: {  	s1 =	rddreg [dreg:$0x1]  }
0x3: {  	s2 =	rddreg [dreg:$0x2]  }
0x4: {  	s3 =	rddreg [dreg:$0x3];
	s4 =	srdreg.scid  }
0x5: {  	s10 =	stileid.u32;
	s6 =	rddreg [dreg:$0x4];
	s7 =	simm.s32 $0x0  }
0x6: {  	s28 =	simm.s32 $0x3;
	s29 =	simm.s32 $0x9;
	s17 =	smul.u32 $0x640000, s10  }
0x7: {  	s30 =	simm.s32 $0x6;
	s4 =	sand.u32 $0x1, s4;
	s23 =	smul.u32 $0xC8000, s10  }
0x8: {  	s31 =	simm.s32 $0x8;
	s5 =	sshll.u32 s10, $0x1;
	s19 =	smul.u32 $0x320000, s4  }
0x9: {  	s5 =	sor.u32 s4, s5;
	s8 =	ssub.s32 $0x2, s4;
	s4 =	smul.u32 $0x64000, s4  }
0xa: {  	[smem:$0x7FF] =	sst s7;
	s15 =	sshll.u32 s10, $0xE;
	s13 =	smul.u32 $0xC80, s5  }
0xb: {  	_ =	strace $0x80000047;
	s6 =	sadd.s32 s15, s6;
	s14 =	smul.u32 $0x64000, s5  }
0xc: {  	s9 =	sshrl.u32 s8, $0x1;
	s16 =	smul.u32 $0x320000, s5;
	s5 =	sadd.s32 s15, s3  }
0xd: {  	s8 =	ssub.s32 s8, s9;
	s1 =	sadd.s32 s13, s1;
	s7 =	sadd.s32 s2, s14  }
0xe: {  	s18 =	sshrl.u32 s16, $0x3;
	s25 =	smax.u32 s8, $0x1;
	[dreg:$0x9] =	wrdreg s7  }
0xf: {  	s16 =	simm.s32 $0xB;
	s1 =	sadd.s32 $0x400, s1;
	[dreg:$0x11] =	wrdreg s25  }
0x10: {  	s11 =	sadd.s32 $0x800, s7;
	s7 =	sadd.s32 $0x1000, s7;
	[dreg:$0x8] =	wrdreg s1  }
0x11: {  	s3 =	sadd.s32 s2, s18;
	s18 =	simm.s32 $0x6400;
	[dreg:$0xa] =	wrdreg s11  }
0x12: {  	s25 =	simm.s32 $0x0;
	[dreg:$0xb] =	wrdreg s7;
	s20 =	sadd.s32 $0x61800, s3  }
0x13: {  	s21 =	sadd.s32 $0x62000, s3;
	s1 =	sadd.s32 s19, s17;
	[dreg:$0xc] =	wrdreg s20  }
0x14: {  	s22 =	sadd.s32 $0x62800, s3;
	s24 =	sadd.s32 $0x63000, s3;
	[dreg:$0xd] =	wrdreg s21  }
0x15: {  	s3 =	sadd.s32 $0x63800, s3;
	s17 =	simm.s32 $0x80;
	[dreg:$0xe] =	wrdreg s22  }
0x16: {  	s19 =	simm.s32 $0xA400;
	s1 =	sor.u32 $0x10000, s1;
	[dreg:$0xf] =	wrdreg s24  }
0x17: {  	[dreg:$0x10] =	wrdreg s3;
	s20 =	simm.s32 $0x1;
	s22 =	simm.s32 $0xE400  }
0x18: {  	s24 =	simm.s32 $0x5;
	s21 =	simm.s32 $0x7;
	s1 =	sshrl.u32 s1, $0x3  }
0x19: {  	s1 =	sadd.s32 s1, s2;
	s2 =	sadd.s32 s23, s2;
	s23 =	simm.s32 $0x2  }
0x1a: {  	[dreg:$0x6] =	wrdreg s1;
	s26 =	sadd.s32 s4, s2;
	s2 =	simm.s32 $0x4  }
0x1b: {  	s1 =	simm.s32 $0xA;
	[dreg:$0x7] =	wrdreg s26;
	s26 =	simm.s32 $0x12400  }
.LBB2_1:
0x1c: {  	s3 =	simm.s32 $0x0;
	s4 =	rddreg [dreg:$0x8]  }
0x1d: {  	[tilespmem:s3], [sflag:$0xB] =	stream.linear.gather [hbm4b:s4+s3], $0x6400, $0x38;
	[tilespmem:$0x1E400] =	vst v63  }
0x1e: {  	_ =	swait.ge [sflag:s16], $0x6400  }
0x1f: {  	[sflag:s16] =	ssyncset.done $0x0  }
0x20: {  	[sflag:s16] =	ssyncadd.s32 $0xFFFF9C00  }
0x21: {  	[tilespmem:s18], [sflag:$0x1] =	stream.indirect.gather [hbm4b:s0+s17], $0x80, s3, s17, $0xb8;
	[tilespmem:$0x1E400] =	vst v63  }
0x22: {  	_ = 	snop  }
0x23: {  	[tilespmem:s19], [sflag:$0x2] =	stream.indirect.gather [hbm4b:s0+s17], $0x80, s17, s17, $0xb8;
	[tilespmem:$0x1E400] =	vst v63  }
0x24: {  	_ =	swait.ge [sflag:s20], $0x4000  }
0x25: {  	[sflag:s20] =	ssyncset.done $0x0  }
0x26: {  	[sflag:s20] =	ssyncadd.s32 $0xFFFFC000  }
0x27: {  	[spmem:s5] =	stream.linear.scatter [tilespmem:s18], [sflag:$0x5], $0x4000, $0x38;
	[tilespmem:$0x1E400] =	vst v63  }
0x28: {  	s11 =	simm.s32 $0x100  }
0x29: {  	[tilespmem:s22], [sflag:$0x3] =	stream.indirect.gather [hbm4b:s0+s17], $0x80, s11, s17, $0xb8;
	[tilespmem:$0x1E400] =	vst v63  }
0x2a: {  	_ =	swait.ge [sflag:s23], $0x4000  }
0x2b: {  	[sflag:s23] =	ssyncset.done $0x0  }
0x2c: {  	[sflag:s23] =	ssyncadd.s32 $0xFFFFC000  }
0x2d: {  	[spmem:s6] =	stream.linear.scatter [tilespmem:s19], [sflag:$0x6], $0x4000, $0x38;
	[tilespmem:$0x1E400] =	vst v63  }
0x2e: {  	s12 =	stileid.u32;
	s13 =	simm.s32 $0x180;
	_ =	swait.ge [sflag:s24], $0x4000  }
0x2f: {  	s8 =	sshll.u32 s12, $0x6;
	s4 =	sshrl.u32 s5, $0x3;
	[sflag:s24] =	ssyncset.done $0x0  }
0x30: {  	s3 =	sor.u32 $0x1C09, s8;
	s7 =	rddreg [dreg:$0x9];
	[sflag:s24] =	ssyncadd.s32 $0xFFFFC000  }
0x31: {  	[hbm:s7], [sflag:s3] =	dma.local [spmem:s4], $0x800  }
0x32: {  	[tilespmem:s26], [sflag:$0x4] =	stream.indirect.gather [hbm4b:s0+s17], $0x80, s13, s17, $0xb8;
	[tilespmem:$0x1E400] =	vst v63  }
0x33: {  	_ =	swait.ge [sflag:s28], $0x4000  }
0x34: {  	[sflag:s28] =	ssyncset.done $0x0  }
0x35: {  	[sflag:s28] =	ssyncadd.s32 $0xFFFFC000  }
0x36: {  	_ =	swait.ge [sflag:s29], $0x800  }
0x37: {  	[sflag:s29] =	ssyncset.done $0x0  }
0x38: {  	[sflag:s29] =	ssyncadd.s32 $0xFFFFF800  }
0x39: {  	[spmem:s5] =	stream.linear.scatter [tilespmem:s22], [sflag:$0x7], $0x4000, $0x38;
	[tilespmem:$0x1E400] =	vst v63  }
0x3a: {  	_ =	swait.ge [sflag:s30], $0x4000  }
0x3b: {  	s9 =	sshrl.u32 s6, $0x3;
	s15 =	simm.s32 $0x200;
	[sflag:s30] =	ssyncset.done $0x0  }
0x3c: {  	s8 =	sor.u32 $0x1C0A, s8;
	s14 =	rddreg [dreg:$0xa];
	[sflag:s30] =	ssyncadd.s32 $0xFFFFC000  }
0x3d: {  	[hbm:s14], [sflag:s8] =	dma.local [spmem:s9], $0x800  }
0x3e: {  	[tilespmem:s18], [sflag:$0x1] =	stream.indirect.gather [hbm4b:s0+s17], $0x80, s15, s17, $0xb8;
	[tilespmem:$0x1E400] =	vst v63  }
0x3f: {  	_ =	swait.ge [sflag:s2], $0x4000  }
0x40: {  	[sflag:s2] =	ssyncset.done $0x0  }
0x41: {  	[sflag:s2] =	ssyncadd.s32 $0xFFFFC000  }
0x42: {  	_ =	swait.ge [sflag:s1], $0x800  }
0x43: {  	[sflag:s1] =	ssyncset.done $0x0  }
0x44: {  	[sflag:s1] =	ssyncadd.s32 $0xFFFFF800  }
0x45: {  	[spmem:s6] =	stream.linear.scatter [tilespmem:s26], [sflag:$0x8], $0x4000, $0x38;
	[tilespmem:$0x1E400] =	vst v63  }
0x46: {  	_ =	swait.ge [sflag:s21], $0x4000  }
0x47: {  	[sflag:s21] =	ssyncset.done $0x0  }
0x48: {  	s11 =	simm.s32 $0x280;
	s10 =	rddreg [dreg:$0xb];
	[sflag:s21] =	ssyncadd.s32 $0xFFFFC000  }
0x49: {  	[hbm:s10], [sflag:s3] =	dma.local [spmem:s4], $0x800  }
0x4a: {  	[tilespmem:s19], [sflag:$0x2] =	stream.indirect.gather [hbm4b:s0+s17], $0x80, s11, s17, $0xb8;
	[tilespmem:$0x1E400] =	vst v63  }
0x4b: {  	_ =	swait.ge [sflag:s20], $0x4000  }
0x4c: {  	[sflag:s20] =	ssyncset.done $0x0  }
0x4d: {  	[sflag:s20] =	ssyncadd.s32 $0xFFFFC000  }
0x4e: {  	_ =	swait.ge [sflag:s29], $0x800  }
0x4f: {  	[sflag:s29] =	ssyncset.done $0x0  }
0x50: {  	[sflag:s29] =	ssyncadd.s32 $0xFFFFF800  }
0x51: {  	[spmem:s5] =	stream.linear.scatter [tilespmem:s18], [sflag:$0x5], $0x4000, $0x38;
	[tilespmem:$0x1E400] =	vst v63  }
0x52: {  	_ =	swait.ge [sflag:s31], $0x4000  }
0x53: {  	s10 =	rddreg [dreg:$0x7]  }
0x54: {  	[sflag:s31] =	ssyncset.done $0x0;
	s10 =	sadd.s32 $0x0, s10  }
0x55: {  	s12 =	simm.s32 $0x300;
	[sflag:s31] =	ssyncadd.s32 $0xFFFFC000;
	s11 =	sadd.s32 $0x1800, s10  }
0x56: {  	[hbm:s11], [sflag:s8] =	dma.local [spmem:s9], $0x800  }
0x57: {  	[tilespmem:s22], [sflag:$0x3] =	stream.indirect.gather [hbm4b:s0+s17], $0x80, s12, s17, $0xb8;
	[tilespmem:$0x1E400] =	vst v63  }
0x58: {  	_ =	swait.ge [sflag:s23], $0x4000  }
0x59: {  	[sflag:s23] =	ssyncset.done $0x0  }
0x5a: {  	[sflag:s23] =	ssyncadd.s32 $0xFFFFC000  }
0x5b: {  	_ =	swait.ge [sflag:s1], $0x800  }
0x5c: {  	[sflag:s1] =	ssyncset.done $0x0  }
0x5d: {  	[sflag:s1] =	ssyncadd.s32 $0xFFFFF800  }
0x5e: {  	[spmem:s6] =	stream.linear.scatter [tilespmem:s19], [sflag:$0x6], $0x4000, $0x38;
	[tilespmem:$0x1E400] =	vst v63  }
0x5f: {  	_ =	swait.ge [sflag:s24], $0x4000  }
0x60: {  	s12 =	rddreg [dreg:$0x6];
	[sflag:s24] =	ssyncset.done $0x0  }
0x61: {  	s13 =	simm.s32 $0x380;
	[sflag:s24] =	ssyncadd.s32 $0xFFFFC000;
	s11 =	sadd.s32 $0x0, s12  }
0x62: {  	[hbm:s11], [sflag:s3] =	dma.local [spmem:s4], $0x800  }
0x63: {  	[tilespmem:s26], [sflag:$0x4] =	stream.indirect.gather [hbm4b:s0+s17], $0x80, s13, s17, $0xb8;
	[tilespmem:$0x1E400] =	vst v63  }
0x64: {  	_ =	swait.ge [sflag:s28], $0x4000  }
0x65: {  	[sflag:s28] =	ssyncset.done $0x0  }
0x66: {  	[sflag:s28] =	ssyncadd.s32 $0xFFFFC000  }
0x67: {  	_ =	swait.ge [sflag:s29], $0x800  }
0x68: {  	[sflag:s29] =	ssyncset.done $0x0  }
0x69: {  	[sflag:s29] =	ssyncadd.s32 $0xFFFFF800  }
0x6a: {  	[spmem:s5] =	stream.linear.scatter [tilespmem:s22], [sflag:$0x7], $0x4000, $0x38;
	[tilespmem:$0x1E400] =	vst v63  }
0x6b: {  	_ =	swait.ge [sflag:s30], $0x4000  }
0x6c: {  	[sflag:s30] =	ssyncset.done $0x0  }
0x6d: {  	s15 =	simm.s32 $0x400;
	s14 =	sadd.s32 $0x2800, s10;
	[sflag:s30] =	ssyncadd.s32 $0xFFFFC000  }
0x6e: {  	[hbm:s14], [sflag:s8] =	dma.local [spmem:s9], $0x800  }
0x6f: {  	[tilespmem:s18], [sflag:$0x1] =	stream.indirect.gather [hbm4b:s0+s17], $0x80, s15, s17, $0xb8;
	[tilespmem:$0x1E400] =	vst v63  }
0x70: {  	_ =	swait.ge [sflag:s2], $0x4000  }
0x71: {  	[sflag:s2] =	ssyncset.done $0x0  }
0x72: {  	[sflag:s2] =	ssyncadd.s32 $0xFFFFC000  }
0x73: {  	_ =	swait.ge [sflag:s1], $0x800  }
0x74: {  	[sflag:s1] =	ssyncset.done $0x0  }
0x75: {  	[sflag:s1] =	ssyncadd.s32 $0xFFFFF800  }
0x76: {  	[spmem:s6] =	stream.linear.scatter [tilespmem:s26], [sflag:$0x8], $0x4000, $0x38;
	[tilespmem:$0x1E400] =	vst v63  }
0x77: {  	_ =	swait.ge [sflag:s21], $0x4000  }
0x78: {  	[sflag:s21] =	ssyncset.done $0x0  }
0x79: {  	s10 =	sadd.s32 $0x3000, s10;
	[sflag:s21] =	ssyncadd.s32 $0xFFFFC000  }
0x7a: {  	[hbm:s10], [sflag:s3] =	dma.local [spmem:s4], $0x800  }
0x7b: {  	s12 =	simm.s32 $0x480;
	s11 =	simm.s32 $0x680;
	s10 =	simm.s32 $0x2000  }
.LBB2_2:
0x7c: {  	[tilespmem:s19], [sflag:$0x2] =	stream.indirect.gather [hbm4b:s0+s17], $0x80, s12, s17, $0xb8;
	[tilespmem:$0x1E400] =	vst v63  }
0x7d: {  	_ =	swait.ge [sflag:s20], $0x4000  }
0x7e: {  	[sflag:s20] =	ssyncset.done $0x0  }
0x7f: {  	[sflag:s20] =	ssyncadd.s32 $0xFFFFC000  }
0x80: {  	_ =	swait.ge [sflag:s29], $0x800  }
0x81: {  	[sflag:s29] =	ssyncset.done $0x0  }
0x82: {  	[sflag:s29] =	ssyncadd.s32 $0xFFFFF800  }
0x83: {  	[spmem:s5] =	stream.linear.scatter [tilespmem:s18], [sflag:$0x5], $0x4000, $0x38;
	[tilespmem:$0x1E400] =	vst v63  }
0x84: {  	_ =	swait.ge [sflag:s31], $0x4000  }
0x85: {  	s14 =	smov.u32 s10;
	s13 =	rddreg [dreg:$0x7]  }
0x86: {  	[sflag:s31] =	ssyncset.done $0x0;
	s13 =	sadd.s32 s14, s13  }
0x87: {  	s7 =	sadd.s32 $0xFFFFFE80, s11;
	[sflag:s31] =	ssyncadd.s32 $0xFFFFC000;
	s15 =	sadd.s32 $0x1800, s13  }
0x88: {  	[hbm:s15], [sflag:s8] =	dma.local [spmem:s9], $0x800  }
0x89: {  	[tilespmem:s22], [sflag:$0x3] =	stream.indirect.gather [hbm4b:s0+s17], $0x80, s7, s17, $0xb8;
	[tilespmem:$0x1E400] =	vst v63  }
0x8a: {  	_ =	swait.ge [sflag:s23], $0x4000  }
0x8b: {  	[sflag:s23] =	ssyncset.done $0x0  }
0x8c: {  	[sflag:s23] =	ssyncadd.s32 $0xFFFFC000  }
0x8d: {  	_ =	swait.ge [sflag:s1], $0x800  }
0x8e: {  	[sflag:s1] =	ssyncset.done $0x0  }
0x8f: {  	[sflag:s1] =	ssyncadd.s32 $0xFFFFF800  }
0x90: {  	[spmem:s6] =	stream.linear.scatter [tilespmem:s19], [sflag:$0x6], $0x4000, $0x38;
	[tilespmem:$0x1E400] =	vst v63  }
0x91: {  	_ =	swait.ge [sflag:s24], $0x4000  }
0x92: {  	[sflag:s24] =	ssyncset.done $0x0;
	s15 =	rddreg [dreg:$0x6]  }
0x93: {  	[sflag:s24] =	ssyncadd.s32 $0xFFFFC000;
	s7 =	sadd.s32 s14, s15;
	s15 =	sadd.s32 $0xFFFFFF00, s11  }
0x94: {  	[hbm:s7], [sflag:s3] =	dma.local [spmem:s4], $0x800  }
0x95: {  	[tilespmem:s26], [sflag:$0x4] =	stream.indirect.gather [hbm4b:s0+s17], $0x80, s15, s17, $0xb8;
	[tilespmem:$0x1E400] =	vst v63  }
0x96: {  	_ =	swait.ge [sflag:s28], $0x4000  }
0x97: {  	[sflag:s28] =	ssyncset.done $0x0  }
0x98: {  	[sflag:s28] =	ssyncadd.s32 $0xFFFFC000  }
0x99: {  	_ =	swait.ge [sflag:s29], $0x800  }
0x9a: {  	[sflag:s29] =	ssyncset.done $0x0  }
0x9b: {  	[sflag:s29] =	ssyncadd.s32 $0xFFFFF800  }
0x9c: {  	[spmem:s5] =	stream.linear.scatter [tilespmem:s22], [sflag:$0x7], $0x4000, $0x38;
	[tilespmem:$0x1E400] =	vst v63  }
0x9d: {  	_ =	swait.ge [sflag:s30], $0x4000  }
0x9e: {  	[sflag:s30] =	ssyncset.done $0x0  }
0x9f: {  	s14 =	sadd.s32 $0x2800, s13;
	s15 =	sadd.s32 $0xFFFFFF80, s11;
	[sflag:s30] =	ssyncadd.s32 $0xFFFFC000  }
0xa0: {  	[hbm:s14], [sflag:s8] =	dma.local [spmem:s9], $0x800  }
0xa1: {  	[tilespmem:s18], [sflag:$0x1] =	stream.indirect.gather [hbm4b:s0+s17], $0x80, s15, s17, $0xb8;
	[tilespmem:$0x1E400] =	vst v63  }
0xa2: {  	_ =	swait.ge [sflag:s2], $0x4000  }
0xa3: {  	[sflag:s2] =	ssyncset.done $0x0  }
0xa4: {  	[sflag:s2] =	ssyncadd.s32 $0xFFFFC000  }
0xa5: {  	_ =	swait.ge [sflag:s1], $0x800  }
0xa6: {  	[sflag:s1] =	ssyncset.done $0x0  }
0xa7: {  	p0 =	sne.s32 s10, $0x5E000;
	[sflag:s1] =	ssyncadd.s32 $0xFFFFF800  }
0xa8: {  	[spmem:s6] =	stream.linear.scatter [tilespmem:s26], [sflag:$0x8], $0x4000, $0x38;
	[tilespmem:$0x1E400] =	vst v63  }
.Ltmp0:
0xa9: {  	_ = 	snop;
	(pc) =	sbr.rel @p0 .LBB2_2-.Ltmp0, $4  }
0xaa: {  	_ =	swait.ge [sflag:s21], $0x4000  }
0xab: {  	s10 =	sadd.s32 $0x2000, s10;
	s12 =	smov.u32 s11;
	[sflag:s21] =	ssyncset.done $0x0  }
0xac: {  	s11 =	sadd.s32 $0x200, s11;
	s15 =	sadd.s32 $0x3000, s13;
	[sflag:s21] =	ssyncadd.s32 $0xFFFFC000  }
0xad: {  	[hbm:s15], [sflag:s3] =	dma.local [spmem:s4], $0x800  }
0xae: {  	[tilespmem:s19], [sflag:$0x2] =	stream.indirect.gather [hbm4b:s0+s17], $0x80, s12, s17, $0xb8;
	[tilespmem:$0x1E400] =	vst v63  }
0xaf: {  	_ =	swait.ge [sflag:s20], $0x4000  }
0xb0: {  	[sflag:s20] =	ssyncset.done $0x0  }
0xb1: {  	[sflag:s20] =	ssyncadd.s32 $0xFFFFC000  }
0xb2: {  	_ =	swait.ge [sflag:s29], $0x800  }
0xb3: {  	[sflag:s29] =	ssyncset.done $0x0  }
0xb4: {  	[sflag:s29] =	ssyncadd.s32 $0xFFFFF800  }
0xb5: {  	[spmem:s5] =	stream.linear.scatter [tilespmem:s18], [sflag:$0x5], $0x4000, $0x38;
	[tilespmem:$0x1E400] =	vst v63  }
0xb6: {  	_ =	swait.ge [sflag:s31], $0x4000  }
0xb7: {  	[sflag:s31] =	ssyncset.done $0x0  }
0xb8: {  	s15 =	simm.s32 $0x6300;
	s7 =	rddreg [dreg:$0xc];
	[sflag:s31] =	ssyncadd.s32 $0xFFFFC000  }
0xb9: {  	[hbm:s7], [sflag:s8] =	dma.local [spmem:s9], $0x800  }
0xba: {  	[tilespmem:s22], [sflag:$0x3] =	stream.indirect.gather [hbm4b:s0+s17], $0x80, s15, s17, $0xb8;
	[tilespmem:$0x1E400] =	vst v63  }
0xbb: {  	_ =	swait.ge [sflag:s23], $0x4000  }
0xbc: {  	[sflag:s23] =	ssyncset.done $0x0  }
0xbd: {  	[sflag:s23] =	ssyncadd.s32 $0xFFFFC000  }
0xbe: {  	_ =	swait.ge [sflag:s1], $0x800  }
0xbf: {  	[sflag:s1] =	ssyncset.done $0x0  }
0xc0: {  	[sflag:s1] =	ssyncadd.s32 $0xFFFFF800  }
0xc1: {  	[spmem:s6] =	stream.linear.scatter [tilespmem:s19], [sflag:$0x6], $0x4000, $0x38;
	[tilespmem:$0x1E400] =	vst v63  }
0xc2: {  	_ =	swait.ge [sflag:s24], $0x4000  }
0xc3: {  	[sflag:s24] =	ssyncset.done $0x0  }
0xc4: {  	s11 =	simm.s32 $0x6380;
	s10 =	rddreg [dreg:$0xd];
	[sflag:s24] =	ssyncadd.s32 $0xFFFFC000  }
0xc5: {  	[hbm:s10], [sflag:s3] =	dma.local [spmem:s4], $0x800  }
0xc6: {  	[tilespmem:s26], [sflag:$0x4] =	stream.indirect.gather [hbm4b:s0+s17], $0x80, s11, s17, $0xb8;
	[tilespmem:$0x1E400] =	vst v63  }
0xc7: {  	_ =	swait.ge [sflag:s28], $0x4000  }
0xc8: {  	[sflag:s28] =	ssyncset.done $0x0  }
0xc9: {  	[sflag:s28] =	ssyncadd.s32 $0xFFFFC000  }
0xca: {  	_ =	swait.ge [sflag:s29], $0x800  }
0xcb: {  	[sflag:s29] =	ssyncset.done $0x0  }
0xcc: {  	[sflag:s29] =	ssyncadd.s32 $0xFFFFF800  }
0xcd: {  	[spmem:s5] =	stream.linear.scatter [tilespmem:s22], [sflag:$0x7], $0x4000, $0x38;
	[tilespmem:$0x1E400] =	vst v63  }
0xce: {  	_ =	swait.ge [sflag:s30], $0x4000  }
0xcf: {  	[sflag:s30] =	ssyncset.done $0x0  }
0xd0: {  	s12 =	rddreg [dreg:$0xe];
	[sflag:s30] =	ssyncadd.s32 $0xFFFFC000  }
0xd1: {  	[hbm:s12], [sflag:s8] =	dma.local [spmem:s9], $0x800  }
0xd2: {  	_ =	swait.ge [sflag:s2], $0x4000  }
0xd3: {  	[sflag:s2] =	ssyncset.done $0x0  }
0xd4: {  	[sflag:s2] =	ssyncadd.s32 $0xFFFFC000  }
0xd5: {  	_ =	swait.ge [sflag:s1], $0x800  }
0xd6: {  	[sflag:s1] =	ssyncset.done $0x0  }
0xd7: {  	[sflag:s1] =	ssyncadd.s32 $0xFFFFF800  }
0xd8: {  	[spmem:s6] =	stream.linear.scatter [tilespmem:s26], [sflag:$0x8], $0x4000, $0x38;
	[tilespmem:$0x1E400] =	vst v63  }
0xd9: {  	_ =	swait.ge [sflag:s21], $0x4000  }
0xda: {  	[sflag:s21] =	ssyncset.done $0x0  }
0xdb: {  	s13 =	rddreg [dreg:$0xf];
	[sflag:s21] =	ssyncadd.s32 $0xFFFFC000  }
0xdc: {  	[hbm:s13], [sflag:s3] =	dma.local [spmem:s4], $0x800  }
0xdd: {  	_ =	swait.ge [sflag:s31], $0x4000  }
0xde: {  	[sflag:s31] =	ssyncset.done $0x0  }
0xdf: {  	s14 =	rddreg [dreg:$0x10];
	[sflag:s31] =	ssyncadd.s32 $0xFFFFC000  }
0xe0: {  	[hbm:s14], [sflag:s8] =	dma.local [spmem:s9], $0x800  }
0xe1: {  	_ =	swait.ge [sflag:s29], $0x800  }
0xe2: {  	[sflag:s29] =	ssyncset.done $0x0  }
0xe3: {  	[sflag:s29] =	ssyncadd.s32 $0xFFFFF800  }
0xe4: {  	_ =	swait.ge [sflag:s1], $0x800  }
0xe5: {  	s25 =	sadd.s32 $0x1, s25;
	s15 =	rddreg [dreg:$0x11]  }
0xe6: {  	p0 =	sne.s32 s25, s15  }
.Ltmp1:
0xe7: {  	_ = 	snop;
	(pc) =	sbr.rel @p0 .LBB2_1-.Ltmp1, $3  }
0xe8: {  	_ =	sdelay $0x1  }
0xe9: {  	[sflag:s1] =	ssyncset.done $0x0  }
0xea: {  	[sflag:s1] =	ssyncadd.s32 $0xFFFFF800  }
0xeb: {  	_ =	sfence.sel $0x180000  }
0xec: {  	[bflag:$0x0] =	sbarrier.arrive $0xFFFF  }
0xed: {  	_ =	strace $0x90000047  }
0xee: {  	s0 =	stileid.u32;
	[bflag:$0x2] =	sbarrier.arrive $0xFFFF  }
0xef: {  	p0 =	sne.s32 s0, $0x0;
	s0 =	rddreg [dreg:$0x5]  }
0xf0: {  	s0 =	sadd.s32 @!p0 $0x100000, s0  }
0xf1: {  	[sflag:s0] =	ssyncadd.tile.s32 @!p0 $0x1;
	_ =	shalt  }
.Lfunc_end2:
_tile_overlayer_lowered:
.L_overlay_start_2:
0xf2: {  	(tag) =	ssettag $0x2  }
0xf3: {  	s0 =	rddreg [dreg:$0x0];
	s2 =	stileid.u32  }
0xf4: {  	s1 =	rddreg [dreg:$0x1];
	p0 =	sne.s32 s2, $0x0  }
0xf5: {  	s3 =	rddreg [dreg:$0x2];
	[bflag:$0x3] =	sbarrier.arrive $0xFFFF;
	s2 =	simm.s32 @!p0 $0x1C0B  }
0xf6: {  	[timem:s3], [sflag:s2] =	dma.local @!p0 [hbm:s0], s1  }
0xf7: {  	s0 =	simm.s32 @!p0 $0xB  }
0xf8: {  	_ =	swait.ge @!p0 [sflag:s0], s1  }
0xf9: {  	s1 =	ssub.s32 @!p0 $0x0, s1;
	[sflag:s0] =	ssyncset.done @!p0 $0x0  }
0xfa: {  	[sflag:s0] =	ssyncadd.s32 @!p0 s1  }
0xfb: {  	[bflag:$0x3] =	sbarrier.arrive $0xFFFF  }
0xfc: {  	_ =	shalt  }

</sc_bundles>
